<compile_context>
chip_gen: v7x
topology: tpu7x:2x2x1
jax: 0.10.2.dev20260603
libtpu: 0.0.44.dev20260713+nightly
codegen_flags: <defaults>
</compile_context>

<pallas_src>
import functools

import jax
import jax.numpy as jnp
from jax import lax
from jax.experimental import pallas as pl
from jax.experimental.pallas import tpu as pltpu
from jax.experimental.pallas import tpu_sc as plsc

_K_CAT = 8192
_DIM = 256
_BETA = 0.25
_N_TOK = 9216

_BN = 576

_BNC = 576

_SC_NC = 2
_SC_NS = 16
_SC_NW = _SC_NC * _SC_NS
_B_PER_W = _N_TOK // _SC_NW
_CHUNK = 96
_NCH = _B_PER_W // _CHUNK


def _argmin_body(a_ref, b_ref, colf_ref, ze_ref, ej_ref, ids_ref):
    ze2 = ze_ref[...] + ze_ref[...]
    dot2 = lax.dot_general(
        ze2, ej_ref[...],
        (((1,), (1,)), ((), ())),
        preferred_element_type=jnp.float32,
    )
    d = (a_ref[...] + b_ref[...]) - dot2
    lmin = jnp.min(d, axis=1, keepdims=True)
    masked = jnp.where(d == lmin, colf_ref[...], jnp.float32(3e38))
    first = jnp.min(masked, axis=1, keepdims=True)
    ids_ref[...] = first.astype(jnp.int32)


def _compute_ids(a, bnorm, colf, ze, ej):
    num_n = _N_TOK // _BN
    return pl.pallas_call(
        _argmin_body,
        grid=(num_n,),
        in_specs=[
            pl.BlockSpec((_BN, 1), lambda n: (n, 0)),
            pl.BlockSpec((1, _K_CAT), lambda n: (0, 0)),
            pl.BlockSpec((1, _K_CAT), lambda n: (0, 0)),
            pl.BlockSpec((_BN, _DIM), lambda n: (n, 0)),
            pl.BlockSpec((_K_CAT, _DIM), lambda n: (0, 0)),
        ],
        out_specs=pl.BlockSpec((_BN, 1), lambda n: (n, 0)),
        out_shape=jax.ShapeDtypeStruct((_N_TOK, 1), jnp.int32),
        compiler_params=pltpu.CompilerParams(
            dimension_semantics=("parallel",),
        ),
    )(a, bnorm, colf, ze, ej)


def _gather_rows(emb, ids):
    mesh = plsc.VectorSubcoreMesh(core_axis_name="c", subcore_axis_name="s")

    @functools.partial(
        pl.kernel,
        mesh=mesh,
        out_type=jax.ShapeDtypeStruct((_N_TOK, _DIM), jnp.float32),
        scratch_types=[
            pltpu.VMEM((_NCH, _CHUNK), jnp.int32),
            pltpu.VMEM((_NCH, _CHUNK, _DIM), jnp.float32),
            pltpu.SemaphoreType.DMA,
        ],
    )
    def _sc_gather(table_hbm, idx_hbm, out_hbm, idx_v, rows_v, sem):
        wid = lax.axis_index("s") * _SC_NC + lax.axis_index("c")
        base = wid * _B_PER_W
        for j in range(_NCH):
            pltpu.sync_copy(idx_hbm.at[pl.ds(base + j * _CHUNK, _CHUNK)], idx_v.at[j])
        copies = [
            pltpu.async_copy(table_hbm.at[idx_v.at[j]], rows_v.at[j], sem)
            for j in range(_NCH)
        ]
        for c in copies:
            c.wait()
        for j in range(_NCH):
            pltpu.sync_copy(rows_v.at[j], out_hbm.at[pl.ds(base + j * _CHUNK, _CHUNK)])

    return _sc_gather(emb, ids)


def _st_loss_body(ze_ref, zq_ref, out_ref, loss_ref, acc_ref):
    n = pl.program_id(0)
    ze = ze_ref[...]
    zq = zq_ref[...]
    st = (zq - ze) + ze
    out_ref[...] = jnp.transpose(st, (1, 0)).reshape(1, _DIM, _BNC)
    part = jnp.sum((ze - zq) ** 2)
    acc_ref[0] = jnp.where(n == 0, part, acc_ref[0] + part)
    m = acc_ref[0] / jnp.float32(_N_TOK * _DIM)
    loss_ref[...] = jnp.broadcast_to(m + _BETA * m, (1, 1))


def _st_loss(ze, zq_rows):
    num_n = _N_TOK // _BNC
    return pl.pallas_call(
        _st_loss_body,
        grid=(num_n,),
        in_specs=[
            pl.BlockSpec((_BNC, _DIM), lambda n: (n, 0)),
            pl.BlockSpec((_BNC, _DIM), lambda n: (n, 0)),
        ],
        out_specs=[
            pl.BlockSpec((1, _DIM, _BNC), lambda n: (n, 0, 0)),
            pl.BlockSpec((1, 1), lambda n: (0, 0)),
        ],
        out_shape=[
            jax.ShapeDtypeStruct((num_n, _DIM, _BNC), jnp.float32),
            jax.ShapeDtypeStruct((1, 1), jnp.float32),
        ],
        scratch_shapes=[pltpu.SMEM((1,), jnp.float32)],
    )(ze, zq_rows)


def kernel(x, emb_weight):
    b, c, h, w = x.shape
    ze = jnp.transpose(x, (0, 2, 3, 1)).reshape(-1, c)
    a = jnp.sum(ze ** 2, axis=-1, keepdims=True)
    bnorm = jnp.sum(emb_weight ** 2, axis=-1).reshape(1, -1)
    colf = jnp.arange(_K_CAT, dtype=jnp.float32).reshape(1, -1)
    ids = _compute_ids(a, bnorm, colf, ze, emb_weight).reshape(-1)
    zq_rows = _gather_rows(emb_weight, ids)
    zq_out_t, loss = _st_loss(ze, zq_rows)
    zq_out = zq_out_t.reshape(b, c, h, w)
    return (zq_out, loss.reshape(()))

# --- scband reference (transcript-rebuilt; emitter-appended) ---
"""Pipeline reference for scband-quantizer-71193377899422 (READ-ONLY COPY).

The authoritative reference and input builder live on the scoring server;
editing this copy changes nothing except your own understanding.
"""

import jax, jax.numpy as jnp
import numpy as np

K_CAT = 8192
DIM = 256
BETA = 0.25


def setup_inputs(seed: int = 0) -> dict:
    key = jax.random.key(seed)
    k1, k2 = jax.random.split(key)
    x = jax.random.normal(k1, (16, 256, 24, 24), dtype=jnp.float32)
    emb_weight = jax.random.uniform(k2, (K_CAT, DIM), minval=-1.0 / K_CAT, maxval=1.0 / K_CAT, dtype=jnp.float32)
    return {"x": x, "emb_weight": emb_weight}


def reference(x, emb_weight):
    b, c, h, w = x.shape
    # rearrange 'b c h w -> (b h w) c'
    ze = jnp.transpose(x, (0, 2, 3, 1)).reshape(-1, c)
    ej = emb_weight
    # squared L2 distances (no grad needed; argmin is non-differentiable anyway)
    l2 = (jnp.sum(ze ** 2, axis=-1, keepdims=True)
          + jnp.sum(ej ** 2, axis=-1)
          - 2.0 * jnp.einsum('bc,kc->bk', ze, ej))
    nearest_ids = jnp.argmin(l2, axis=-1)
    # embedding lookup -> gather
    zq = jnp.take(emb_weight, nearest_ids, axis=0)
    # rearrange '(b h w) c -> b c h w'
    zq = zq.reshape(b, h, w, c).transpose(0, 3, 1, 2)
    sg = jax.lax.stop_gradient
    vq_loss = jnp.mean((sg(x) - zq) ** 2) + BETA * jnp.mean((x - sg(zq)) ** 2)
    # straight-through estimator
    zq_out = sg(zq - x) + x
    return (zq_out, vq_loss)

if __name__ == "__main__":
    import jax
    _d = setup_inputs()
    print(jax.jit(kernel)(*tuple(_d.values())))

</pallas_src>

<mosaic_0001>
#map = affine_map<(d0, d1) -> (0, 0)>
#map1 = affine_map<(d0, d1) -> (0)>
module attributes {stable_mosaic.version = 14 : i64} {
  func.func @_sc_gather(%arg0: i32, %arg1: i32, %arg2: memref<8192x256xf32, #tpu.memory_space<hbm>>, %arg3: memref<9216xi32, #tpu.memory_space<hbm>>, %arg4: memref<9216x256xf32, #tpu.memory_space<hbm>>, %arg5: memref<3x96xi32, #tpu.memory_space<vmem>>, %arg6: memref<3x96x256xf32, #tpu.memory_space<vmem>>, %arg7: memref<!tpu.dma_semaphore, #tpu.memory_space<semaphore_mem>>) attributes {dimension_semantics = [#tpu.dimension_semantics<core_parallel>, #tpu.dimension_semantics<subcore_parallel>], iteration_bounds = array<i64: 2, 16>, scalar_prefetch = 0 : i64, scratch_operands = 3 : i64, tpu.core_type = #tpu.core_type<sc_vector_subcore>, window_params = [{transform_indices = #map}, {transform_indices = #map1}, {transform_indices = #map}]} {
    %mul3A = arith.constant 2 : i32
    %mul3A_0 = arith.muli %arg1, %mul3A : i32
    %add3A = arith.addi %mul3A_0, %arg0 : i32
    %mul3A_1 = arith.constant 288 : i32
    %mul3A_2 = arith.muli %add3A, %mul3A_1 : i32
    %add3A_3 = arith.constant 0 : i32
    %add3A_4 = arith.addi %mul3A_2, %add3A_3 : i32
    %run_scoped3A = arith.constant 0 : i32
    "tpu.region"() ({
      %run_scoped3A_90 = tpu.sem_alloc : memref<!tpu.dma_semaphore, #tpu.memory_space<semaphore_mem>>
      %dma_start3A_91 = arith.constant 0 : i32
      %dma_start3A_92 = tpu.memref_slice %arg5[%run_scoped3A, %dma_start3A_91] : memref<3x96xi32, #tpu.memory_space<vmem>> -> memref<1x96xi32, #tpu.memory_space<vmem>>
      %dma_start3A_93 = tpu.memref_squeeze %dma_start3A_92 : memref<1x96xi32, #tpu.memory_space<vmem>> -> memref<96xi32, #tpu.memory_space<vmem>>
      %dma_start3A_94 = tpu.memref_slice %arg3[%add3A_4] : memref<9216xi32, #tpu.memory_space<hbm>> -> memref<96xi32, #tpu.memory_space<hbm>>
      %dma_start3A_95 = arith.constant 0 : i32
      %dma_start3A_96 = tpu.memref_slice %arg5[%run_scoped3A, %dma_start3A_95] : memref<3x96xi32, #tpu.memory_space<vmem>> -> memref<1x96xi32, #tpu.memory_space<vmem>>
      %dma_start3A_97 = tpu.memref_squeeze %dma_start3A_96 : memref<1x96xi32, #tpu.memory_space<vmem>> -> memref<96xi32, #tpu.memory_space<vmem>>
      %dma_start3A_98 = tpu.memref_slice %arg3[%add3A_4] : memref<9216xi32, #tpu.memory_space<hbm>> -> memref<96xi32, #tpu.memory_space<hbm>>
      tpu.enqueue_dma source(%dma_start3A_98 : memref<96xi32, #tpu.memory_space<hbm>>) target(%dma_start3A_97 : memref<96xi32, #tpu.memory_space<vmem>>) target_semaphore(%run_scoped3A_90 : memref<!tpu.dma_semaphore, #tpu.memory_space<semaphore_mem>>)
      %dma_wait3A_99 = arith.constant 0 : i32
      %dma_wait3A_100 = tpu.memref_slice %arg5[%run_scoped3A, %dma_wait3A_99] : memref<3x96xi32, #tpu.memory_space<vmem>> -> memref<1x96xi32, #tpu.memory_space<vmem>>
      %dma_wait3A_101 = tpu.memref_squeeze %dma_wait3A_100 : memref<1x96xi32, #tpu.memory_space<vmem>> -> memref<96xi32, #tpu.memory_space<vmem>>
      %dma_wait3A_102 = tpu.memref_slice %arg3[%add3A_4] : memref<9216xi32, #tpu.memory_space<hbm>> -> memref<96xi32, #tpu.memory_space<hbm>>
      %dma_wait3A_103 = arith.constant 0 : i32
      %dma_wait3A_104 = tpu.memref_slice %arg5[%run_scoped3A, %dma_wait3A_103] : memref<3x96xi32, #tpu.memory_space<vmem>> -> memref<1x96xi32, #tpu.memory_space<vmem>>
      %dma_wait3A_105 = tpu.memref_squeeze %dma_wait3A_104 : memref<1x96xi32, #tpu.memory_space<vmem>> -> memref<96xi32, #tpu.memory_space<vmem>>
      %dma_wait3A_106 = tpu.memref_slice %arg3[%add3A_4] : memref<9216xi32, #tpu.memory_space<hbm>> -> memref<96xi32, #tpu.memory_space<hbm>>
      tpu.wait_dma2 semaphore(%run_scoped3A_90 : memref<!tpu.dma_semaphore, #tpu.memory_space<semaphore_mem>>) src(%dma_wait3A_106 : memref<96xi32, #tpu.memory_space<hbm>>) dst(%dma_wait3A_105 : memref<96xi32, #tpu.memory_space<vmem>>)
      tpu.yield
    }) : () -> ()
    %add3A_5 = arith.constant 96 : i32
    %add3A_6 = arith.addi %mul3A_2, %add3A_5 : i32
    %run_scoped3A_7 = arith.constant 1 : i32
    "tpu.region"() ({
      %run_scoped3A_90 = tpu.sem_alloc : memref<!tpu.dma_semaphore, #tpu.memory_space<semaphore_mem>>
      %dma_start3A_91 = arith.constant 0 : i32
      %dma_start3A_92 = tpu.memref_slice %arg5[%run_scoped3A_7, %dma_start3A_91] : memref<3x96xi32, #tpu.memory_space<vmem>> -> memref<1x96xi32, #tpu.memory_space<vmem>>
      %dma_start3A_93 = tpu.memref_squeeze %dma_start3A_92 : memref<1x96xi32, #tpu.memory_space<vmem>> -> memref<96xi32, #tpu.memory_space<vmem>>
      %dma_start3A_94 = tpu.memref_slice %arg3[%add3A_6] : memref<9216xi32, #tpu.memory_space<hbm>> -> memref<96xi32, #tpu.memory_space<hbm>>
      %dma_start3A_95 = arith.constant 0 : i32
      %dma_start3A_96 = tpu.memref_slice %arg5[%run_scoped3A_7, %dma_start3A_95] : memref<3x96xi32, #tpu.memory_space<vmem>> -> memref<1x96xi32, #tpu.memory_space<vmem>>
      %dma_start3A_97 = tpu.memref_squeeze %dma_start3A_96 : memref<1x96xi32, #tpu.memory_space<vmem>> -> memref<96xi32, #tpu.memory_space<vmem>>
      %dma_start3A_98 = tpu.memref_slice %arg3[%add3A_6] : memref<9216xi32, #tpu.memory_space<hbm>> -> memref<96xi32, #tpu.memory_space<hbm>>
      tpu.enqueue_dma source(%dma_start3A_98 : memref<96xi32, #tpu.memory_space<hbm>>) target(%dma_start3A_97 : memref<96xi32, #tpu.memory_space<vmem>>) target_semaphore(%run_scoped3A_90 : memref<!tpu.dma_semaphore, #tpu.memory_space<semaphore_mem>>)
      %dma_wait3A_99 = arith.constant 0 : i32
      %dma_wait3A_100 = tpu.memref_slice %arg5[%run_scoped3A_7, %dma_wait3A_99] : memref<3x96xi32, #tpu.memory_space<vmem>> -> memref<1x96xi32, #tpu.memory_space<vmem>>
      %dma_wait3A_101 = tpu.memref_squeeze %dma_wait3A_100 : memref<1x96xi32, #tpu.memory_space<vmem>> -> memref<96xi32, #tpu.memory_space<vmem>>
      %dma_wait3A_102 = tpu.memref_slice %arg3[%add3A_6] : memref<9216xi32, #tpu.memory_space<hbm>> -> memref<96xi32, #tpu.memory_space<hbm>>
      %dma_wait3A_103 = arith.constant 0 : i32
      %dma_wait3A_104 = tpu.memref_slice %arg5[%run_scoped3A_7, %dma_wait3A_103] : memref<3x96xi32, #tpu.memory_space<vmem>> -> memref<1x96xi32, #tpu.memory_space<vmem>>
      %dma_wait3A_105 = tpu.memref_squeeze %dma_wait3A_104 : memref<1x96xi32, #tpu.memory_space<vmem>> -> memref<96xi32, #tpu.memory_space<vmem>>
      %dma_wait3A_106 = tpu.memref_slice %arg3[%add3A_6] : memref<9216xi32, #tpu.memory_space<hbm>> -> memref<96xi32, #tpu.memory_space<hbm>>
      tpu.wait_dma2 semaphore(%run_scoped3A_90 : memref<!tpu.dma_semaphore, #tpu.memory_space<semaphore_mem>>) src(%dma_wait3A_106 : memref<96xi32, #tpu.memory_space<hbm>>) dst(%dma_wait3A_105 : memref<96xi32, #tpu.memory_space<vmem>>)
      tpu.yield
    }) : () -> ()
    %add3A_8 = arith.constant 192 : i32
    %add3A_9 = arith.addi %mul3A_2, %add3A_8 : i32
    %run_scoped3A_10 = arith.constant 2 : i32
    "tpu.region"() ({
      %run_scoped3A_90 = tpu.sem_alloc : memref<!tpu.dma_semaphore, #tpu.memory_space<semaphore_mem>>
      %dma_start3A_91 = arith.constant 0 : i32
      %dma_start3A_92 = tpu.memref_slice %arg5[%run_scoped3A_10, %dma_start3A_91] : memref<3x96xi32, #tpu.memory_space<vmem>> -> memref<1x96xi32, #tpu.memory_space<vmem>>
      %dma_start3A_93 = tpu.memref_squeeze %dma_start3A_92 : memref<1x96xi32, #tpu.memory_space<vmem>> -> memref<96xi32, #tpu.memory_space<vmem>>
      %dma_start3A_94 = tpu.memref_slice %arg3[%add3A_9] : memref<9216xi32, #tpu.memory_space<hbm>> -> memref<96xi32, #tpu.memory_space<hbm>>
      %dma_start3A_95 = arith.constant 0 : i32
      %dma_start3A_96 = tpu.memref_slice %arg5[%run_scoped3A_10, %dma_start3A_95] : memref<3x96xi32, #tpu.memory_space<vmem>> -> memref<1x96xi32, #tpu.memory_space<vmem>>
      %dma_start3A_97 = tpu.memref_squeeze %dma_start3A_96 : memref<1x96xi32, #tpu.memory_space<vmem>> -> memref<96xi32, #tpu.memory_space<vmem>>
      %dma_start3A_98 = tpu.memref_slice %arg3[%add3A_9] : memref<9216xi32, #tpu.memory_space<hbm>> -> memref<96xi32, #tpu.memory_space<hbm>>
      tpu.enqueue_dma source(%dma_start3A_98 : memref<96xi32, #tpu.memory_space<hbm>>) target(%dma_start3A_97 : memref<96xi32, #tpu.memory_space<vmem>>) target_semaphore(%run_scoped3A_90 : memref<!tpu.dma_semaphore, #tpu.memory_space<semaphore_mem>>)
      %dma_wait3A_99 = arith.constant 0 : i32
      %dma_wait3A_100 = tpu.memref_slice %arg5[%run_scoped3A_10, %dma_wait3A_99] : memref<3x96xi32, #tpu.memory_space<vmem>> -> memref<1x96xi32, #tpu.memory_space<vmem>>
      %dma_wait3A_101 = tpu.memref_squeeze %dma_wait3A_100 : memref<1x96xi32, #tpu.memory_space<vmem>> -> memref<96xi32, #tpu.memory_space<vmem>>
      %dma_wait3A_102 = tpu.memref_slice %arg3[%add3A_9] : memref<9216xi32, #tpu.memory_space<hbm>> -> memref<96xi32, #tpu.memory_space<hbm>>
      %dma_wait3A_103 = arith.constant 0 : i32
      %dma_wait3A_104 = tpu.memref_slice %arg5[%run_scoped3A_10, %dma_wait3A_103] : memref<3x96xi32, #tpu.memory_space<vmem>> -> memref<1x96xi32, #tpu.memory_space<vmem>>
      %dma_wait3A_105 = tpu.memref_squeeze %dma_wait3A_104 : memref<1x96xi32, #tpu.memory_space<vmem>> -> memref<96xi32, #tpu.memory_space<vmem>>
      %dma_wait3A_106 = tpu.memref_slice %arg3[%add3A_9] : memref<9216xi32, #tpu.memory_space<hbm>> -> memref<96xi32, #tpu.memory_space<hbm>>
      tpu.wait_dma2 semaphore(%run_scoped3A_90 : memref<!tpu.dma_semaphore, #tpu.memory_space<semaphore_mem>>) src(%dma_wait3A_106 : memref<96xi32, #tpu.memory_space<hbm>>) dst(%dma_wait3A_105 : memref<96xi32, #tpu.memory_space<vmem>>)
      tpu.yield
    }) : () -> ()
    %dma_start3A = arith.constant 0 : i32
    %dma_start3A_11 = arith.constant 0 : i32
    %dma_start3A_12 = arith.constant 0 : i32
    %dma_start3A_13 = arith.constant 0 : i32
    %dma_start3A_14 = tpu.memref_slice %arg6[%dma_start3A_11, %dma_start3A_12, %dma_start3A_13] : memref<3x96x256xf32, #tpu.memory_space<vmem>> -> memref<1x96x256xf32, #tpu.memory_space<vmem>>
    %dma_start3A_15 = tpu.memref_squeeze %dma_start3A_14 : memref<1x96x256xf32, #tpu.memory_space<vmem>> -> memref<96x256xf32, #tpu.memory_space<vmem>>
    %dma_start3A_16 = arith.constant 0 : i32
    %dma_start3A_17 = tpu.memref_slice %arg5[%dma_start3A, %dma_start3A_16] : memref<3x96xi32, #tpu.memory_space<vmem>> -> memref<1x96xi32, #tpu.memory_space<vmem>>
    %dma_start3A_18 = tpu.memref_squeeze %dma_start3A_17 : memref<1x96xi32, #tpu.memory_space<vmem>> -> memref<96xi32, #tpu.memory_space<vmem>>
    %dma_start3A_19 = arith.constant 0 : i32
    %dma_start3A_20 = arith.constant 0 : i32
    %dma_start3A_21 = tpu.memref_slice %arg2[%dma_start3A_19, %dma_start3A_20] : memref<8192x256xf32, #tpu.memory_space<hbm>> -> memref<8192x256xf32, #tpu.memory_space<hbm>>
    tpu.enqueue_indirect_dma source(%dma_start3A_21 : memref<8192x256xf32, #tpu.memory_space<hbm>>) target(%dma_start3A_15 : memref<96x256xf32, #tpu.memory_space<vmem>>) offsets(%dma_start3A_18 : memref<96xi32, #tpu.memory_space<vmem>>) semaphore(%arg7 : memref<!tpu.dma_semaphore, #tpu.memory_space<semaphore_mem>>)
    %dma_start3A_22 = arith.constant 1 : i32
    %dma_start3A_23 = arith.constant 1 : i32
    %dma_start3A_24 = arith.constant 0 : i32
    %dma_start3A_25 = arith.constant 0 : i32
    %dma_start3A_26 = tpu.memref_slice %arg6[%dma_start3A_23, %dma_start3A_24, %dma_start3A_25] : memref<3x96x256xf32, #tpu.memory_space<vmem>> -> memref<1x96x256xf32, #tpu.memory_space<vmem>>
    %dma_start3A_27 = tpu.memref_squeeze %dma_start3A_26 : memref<1x96x256xf32, #tpu.memory_space<vmem>> -> memref<96x256xf32, #tpu.memory_space<vmem>>
    %dma_start3A_28 = arith.constant 0 : i32
    %dma_start3A_29 = tpu.memref_slice %arg5[%dma_start3A_22, %dma_start3A_28] : memref<3x96xi32, #tpu.memory_space<vmem>> -> memref<1x96xi32, #tpu.memory_space<vmem>>
    %dma_start3A_30 = tpu.memref_squeeze %dma_start3A_29 : memref<1x96xi32, #tpu.memory_space<vmem>> -> memref<96xi32, #tpu.memory_space<vmem>>
    %dma_start3A_31 = arith.constant 0 : i32
    %dma_start3A_32 = arith.constant 0 : i32
    %dma_start3A_33 = tpu.memref_slice %arg2[%dma_start3A_31, %dma_start3A_32] : memref<8192x256xf32, #tpu.memory_space<hbm>> -> memref<8192x256xf32, #tpu.memory_space<hbm>>
    tpu.enqueue_indirect_dma source(%dma_start3A_33 : memref<8192x256xf32, #tpu.memory_space<hbm>>) target(%dma_start3A_27 : memref<96x256xf32, #tpu.memory_space<vmem>>) offsets(%dma_start3A_30 : memref<96xi32, #tpu.memory_space<vmem>>) semaphore(%arg7 : memref<!tpu.dma_semaphore, #tpu.memory_space<semaphore_mem>>)
    %dma_start3A_34 = arith.constant 2 : i32
    %dma_start3A_35 = arith.constant 2 : i32
    %dma_start3A_36 = arith.constant 0 : i32
    %dma_start3A_37 = arith.constant 0 : i32
    %dma_start3A_38 = tpu.memref_slice %arg6[%dma_start3A_35, %dma_start3A_36, %dma_start3A_37] : memref<3x96x256xf32, #tpu.memory_space<vmem>> -> memref<1x96x256xf32, #tpu.memory_space<vmem>>
    %dma_start3A_39 = tpu.memref_squeeze %dma_start3A_38 : memref<1x96x256xf32, #tpu.memory_space<vmem>> -> memref<96x256xf32, #tpu.memory_space<vmem>>
    %dma_start3A_40 = arith.constant 0 : i32
    %dma_start3A_41 = tpu.memref_slice %arg5[%dma_start3A_34, %dma_start3A_40] : memref<3x96xi32, #tpu.memory_space<vmem>> -> memref<1x96xi32, #tpu.memory_space<vmem>>
    %dma_start3A_42 = tpu.memref_squeeze %dma_start3A_41 : memref<1x96xi32, #tpu.memory_space<vmem>> -> memref<96xi32, #tpu.memory_space<vmem>>
    %dma_start3A_43 = arith.constant 0 : i32
    %dma_start3A_44 = arith.constant 0 : i32
    %dma_start3A_45 = tpu.memref_slice %arg2[%dma_start3A_43, %dma_start3A_44] : memref<8192x256xf32, #tpu.memory_space<hbm>> -> memref<8192x256xf32, #tpu.memory_space<hbm>>
    tpu.enqueue_indirect_dma source(%dma_start3A_45 : memref<8192x256xf32, #tpu.memory_space<hbm>>) target(%dma_start3A_39 : memref<96x256xf32, #tpu.memory_space<vmem>>) offsets(%dma_start3A_42 : memref<96xi32, #tpu.memory_space<vmem>>) semaphore(%arg7 : memref<!tpu.dma_semaphore, #tpu.memory_space<semaphore_mem>>)
    %dma_wait3A = arith.constant 0 : i32
    %dma_wait3A_46 = arith.constant 0 : i32
    %dma_wait3A_47 = arith.constant 0 : i32
    %dma_wait3A_48 = arith.constant 0 : i32
    %dma_wait3A_49 = tpu.memref_slice %arg6[%dma_wait3A_46, %dma_wait3A_47, %dma_wait3A_48] : memref<3x96x256xf32, #tpu.memory_space<vmem>> -> memref<1x96x256xf32, #tpu.memory_space<vmem>>
    %dma_wait3A_50 = tpu.memref_squeeze %dma_wait3A_49 : memref<1x96x256xf32, #tpu.memory_space<vmem>> -> memref<96x256xf32, #tpu.memory_space<vmem>>
    %dma_wait3A_51 = arith.constant 0 : i32
    %dma_wait3A_52 = tpu.memref_slice %arg5[%dma_wait3A, %dma_wait3A_51] : memref<3x96xi32, #tpu.memory_space<vmem>> -> memref<1x96xi32, #tpu.memory_space<vmem>>
    %dma_wait3A_53 = tpu.memref_squeeze %dma_wait3A_52 : memref<1x96xi32, #tpu.memory_space<vmem>> -> memref<96xi32, #tpu.memory_space<vmem>>
    %dma_wait3A_54 = arith.constant 0 : i32
    %dma_wait3A_55 = arith.constant 0 : i32
    %dma_wait3A_56 = tpu.memref_slice %arg2[%dma_wait3A_54, %dma_wait3A_55] : memref<8192x256xf32, #tpu.memory_space<hbm>> -> memref<8192x256xf32, #tpu.memory_space<hbm>>
    tpu.wait_indirect_dma semaphore(%arg7 : memref<!tpu.dma_semaphore, #tpu.memory_space<semaphore_mem>>) src(%dma_wait3A_56 : memref<8192x256xf32, #tpu.memory_space<hbm>>) dst(%dma_wait3A_50 : memref<96x256xf32, #tpu.memory_space<vmem>>)
    %dma_wait3A_57 = arith.constant 1 : i32
    %dma_wait3A_58 = arith.constant 1 : i32
    %dma_wait3A_59 = arith.constant 0 : i32
    %dma_wait3A_60 = arith.constant 0 : i32
    %dma_wait3A_61 = tpu.memref_slice %arg6[%dma_wait3A_58, %dma_wait3A_59, %dma_wait3A_60] : memref<3x96x256xf32, #tpu.memory_space<vmem>> -> memref<1x96x256xf32, #tpu.memory_space<vmem>>
    %dma_wait3A_62 = tpu.memref_squeeze %dma_wait3A_61 : memref<1x96x256xf32, #tpu.memory_space<vmem>> -> memref<96x256xf32, #tpu.memory_space<vmem>>
    %dma_wait3A_63 = arith.constant 0 : i32
    %dma_wait3A_64 = tpu.memref_slice %arg5[%dma_wait3A_57, %dma_wait3A_63] : memref<3x96xi32, #tpu.memory_space<vmem>> -> memref<1x96xi32, #tpu.memory_space<vmem>>
    %dma_wait3A_65 = tpu.memref_squeeze %dma_wait3A_64 : memref<1x96xi32, #tpu.memory_space<vmem>> -> memref<96xi32, #tpu.memory_space<vmem>>
    %dma_wait3A_66 = arith.constant 0 : i32
    %dma_wait3A_67 = arith.constant 0 : i32
    %dma_wait3A_68 = tpu.memref_slice %arg2[%dma_wait3A_66, %dma_wait3A_67] : memref<8192x256xf32, #tpu.memory_space<hbm>> -> memref<8192x256xf32, #tpu.memory_space<hbm>>
    tpu.wait_indirect_dma semaphore(%arg7 : memref<!tpu.dma_semaphore, #tpu.memory_space<semaphore_mem>>) src(%dma_wait3A_68 : memref<8192x256xf32, #tpu.memory_space<hbm>>) dst(%dma_wait3A_62 : memref<96x256xf32, #tpu.memory_space<vmem>>)
    %dma_wait3A_69 = arith.constant 2 : i32
    %dma_wait3A_70 = arith.constant 2 : i32
    %dma_wait3A_71 = arith.constant 0 : i32
    %dma_wait3A_72 = arith.constant 0 : i32
    %dma_wait3A_73 = tpu.memref_slice %arg6[%dma_wait3A_70, %dma_wait3A_71, %dma_wait3A_72] : memref<3x96x256xf32, #tpu.memory_space<vmem>> -> memref<1x96x256xf32, #tpu.memory_space<vmem>>
    %dma_wait3A_74 = tpu.memref_squeeze %dma_wait3A_73 : memref<1x96x256xf32, #tpu.memory_space<vmem>> -> memref<96x256xf32, #tpu.memory_space<vmem>>
    %dma_wait3A_75 = arith.constant 0 : i32
    %dma_wait3A_76 = tpu.memref_slice %arg5[%dma_wait3A_69, %dma_wait3A_75] : memref<3x96xi32, #tpu.memory_space<vmem>> -> memref<1x96xi32, #tpu.memory_space<vmem>>
    %dma_wait3A_77 = tpu.memref_squeeze %dma_wait3A_76 : memref<1x96xi32, #tpu.memory_space<vmem>> -> memref<96xi32, #tpu.memory_space<vmem>>
    %dma_wait3A_78 = arith.constant 0 : i32
    %dma_wait3A_79 = arith.constant 0 : i32
    %dma_wait3A_80 = tpu.memref_slice %arg2[%dma_wait3A_78, %dma_wait3A_79] : memref<8192x256xf32, #tpu.memory_space<hbm>> -> memref<8192x256xf32, #tpu.memory_space<hbm>>
    tpu.wait_indirect_dma semaphore(%arg7 : memref<!tpu.dma_semaphore, #tpu.memory_space<semaphore_mem>>) src(%dma_wait3A_80 : memref<8192x256xf32, #tpu.memory_space<hbm>>) dst(%dma_wait3A_74 : memref<96x256xf32, #tpu.memory_space<vmem>>)
    %add3A_81 = arith.constant 0 : i32
    %add3A_82 = arith.addi %mul3A_2, %add3A_81 : i32
    %run_scoped3A_83 = arith.constant 0 : i32
    "tpu.region"() ({
      %run_scoped3A_90 = tpu.sem_alloc : memref<!tpu.dma_semaphore, #tpu.memory_space<semaphore_mem>>
      %dma_start3A_91 = arith.constant 0 : i32
      %dma_start3A_92 = arith.constant 0 : i32
      %dma_start3A_93 = tpu.memref_slice %arg6[%run_scoped3A_83, %dma_start3A_91, %dma_start3A_92] : memref<3x96x256xf32, #tpu.memory_space<vmem>> -> memref<1x96x256xf32, #tpu.memory_space<vmem>>
      %dma_start3A_94 = tpu.memref_squeeze %dma_start3A_93 : memref<1x96x256xf32, #tpu.memory_space<vmem>> -> memref<96x256xf32, #tpu.memory_space<vmem>>
      %dma_start3A_95 = arith.constant 0 : i32
      %dma_start3A_96 = tpu.memref_slice %arg4[%add3A_82, %dma_start3A_95] : memref<9216x256xf32, #tpu.memory_space<hbm>> -> memref<96x256xf32, #tpu.memory_space<hbm>>
      %dma_start3A_97 = arith.constant 0 : i32
      %dma_start3A_98 = tpu.memref_slice %arg4[%add3A_82, %dma_start3A_97] : memref<9216x256xf32, #tpu.memory_space<hbm>> -> memref<96x256xf32, #tpu.memory_space<hbm>>
      %dma_start3A_99 = arith.constant 0 : i32
      %dma_start3A_100 = arith.constant 0 : i32
      %dma_start3A_101 = tpu.memref_slice %arg6[%run_scoped3A_83, %dma_start3A_99, %dma_start3A_100] : memref<3x96x256xf32, #tpu.memory_space<vmem>> -> memref<1x96x256xf32, #tpu.memory_space<vmem>>
      %dma_start3A_102 = tpu.memref_squeeze %dma_start3A_101 : memref<1x96x256xf32, #tpu.memory_space<vmem>> -> memref<96x256xf32, #tpu.memory_space<vmem>>
      tpu.enqueue_dma source(%dma_start3A_102 : memref<96x256xf32, #tpu.memory_space<vmem>>) target(%dma_start3A_98 : memref<96x256xf32, #tpu.memory_space<hbm>>) target_semaphore(%run_scoped3A_90 : memref<!tpu.dma_semaphore, #tpu.memory_space<semaphore_mem>>)
      %dma_wait3A_103 = arith.constant 0 : i32
      %dma_wait3A_104 = arith.constant 0 : i32
      %dma_wait3A_105 = tpu.memref_slice %arg6[%run_scoped3A_83, %dma_wait3A_103, %dma_wait3A_104] : memref<3x96x256xf32, #tpu.memory_space<vmem>> -> memref<1x96x256xf32, #tpu.memory_space<vmem>>
      %dma_wait3A_106 = tpu.memref_squeeze %dma_wait3A_105 : memref<1x96x256xf32, #tpu.memory_space<vmem>> -> memref<96x256xf32, #tpu.memory_space<vmem>>
      %dma_wait3A_107 = arith.constant 0 : i32
      %dma_wait3A_108 = tpu.memref_slice %arg4[%add3A_82, %dma_wait3A_107] : memref<9216x256xf32, #tpu.memory_space<hbm>> -> memref<96x256xf32, #tpu.memory_space<hbm>>
      %dma_wait3A_109 = arith.constant 0 : i32
      %dma_wait3A_110 = tpu.memref_slice %arg4[%add3A_82, %dma_wait3A_109] : memref<9216x256xf32, #tpu.memory_space<hbm>> -> memref<96x256xf32, #tpu.memory_space<hbm>>
      %dma_wait3A_111 = arith.constant 0 : i32
      %dma_wait3A_112 = arith.constant 0 : i32
      %dma_wait3A_113 = tpu.memref_slice %arg6[%run_scoped3A_83, %dma_wait3A_111, %dma_wait3A_112] : memref<3x96x256xf32, #tpu.memory_space<vmem>> -> memref<1x96x256xf32, #tpu.memory_space<vmem>>
      %dma_wait3A_114 = tpu.memref_squeeze %dma_wait3A_113 : memref<1x96x256xf32, #tpu.memory_space<vmem>> -> memref<96x256xf32, #tpu.memory_space<vmem>>
      tpu.wait_dma2 semaphore(%run_scoped3A_90 : memref<!tpu.dma_semaphore, #tpu.memory_space<semaphore_mem>>) src(%dma_wait3A_114 : memref<96x256xf32, #tpu.memory_space<vmem>>) dst(%dma_wait3A_110 : memref<96x256xf32, #tpu.memory_space<hbm>>)
      tpu.yield
    }) : () -> ()
    %add3A_84 = arith.constant 96 : i32
    %add3A_85 = arith.addi %mul3A_2, %add3A_84 : i32
    %run_scoped3A_86 = arith.constant 1 : i32
    "tpu.region"() ({
      %run_scoped3A_90 = tpu.sem_alloc : memref<!tpu.dma_semaphore, #tpu.memory_space<semaphore_mem>>
      %dma_start3A_91 = arith.constant 0 : i32
      %dma_start3A_92 = arith.constant 0 : i32
      %dma_start3A_93 = tpu.memref_slice %arg6[%run_scoped3A_86, %dma_start3A_91, %dma_start3A_92] : memref<3x96x256xf32, #tpu.memory_space<vmem>> -> memref<1x96x256xf32, #tpu.memory_space<vmem>>
      %dma_start3A_94 = tpu.memref_squeeze %dma_start3A_93 : memref<1x96x256xf32, #tpu.memory_space<vmem>> -> memref<96x256xf32, #tpu.memory_space<vmem>>
      %dma_start3A_95 = arith.constant 0 : i32
      %dma_start3A_96 = tpu.memref_slice %arg4[%add3A_85, %dma_start3A_95] : memref<9216x256xf32, #tpu.memory_space<hbm>> -> memref<96x256xf32, #tpu.memory_space<hbm>>
      %dma_start3A_97 = arith.constant 0 : i32
      %dma_start3A_98 = tpu.memref_slice %arg4[%add3A_85, %dma_start3A_97] : memref<9216x256xf32, #tpu.memory_space<hbm>> -> memref<96x256xf32, #tpu.memory_space<hbm>>
      %dma_start3A_99 = arith.constant 0 : i32
      %dma_start3A_100 = arith.constant 0 : i32
      %dma_start3A_101 = tpu.memref_slice %arg6[%run_scoped3A_86, %dma_start3A_99, %dma_start3A_100] : memref<3x96x256xf32, #tpu.memory_space<vmem>> -> memref<1x96x256xf32, #tpu.memory_space<vmem>>
      %dma_start3A_102 = tpu.memref_squeeze %dma_start3A_101 : memref<1x96x256xf32, #tpu.memory_space<vmem>> -> memref<96x256xf32, #tpu.memory_space<vmem>>
      tpu.enqueue_dma source(%dma_start3A_102 : memref<96x256xf32, #tpu.memory_space<vmem>>) target(%dma_start3A_98 : memref<96x256xf32, #tpu.memory_space<hbm>>) target_semaphore(%run_scoped3A_90 : memref<!tpu.dma_semaphore, #tpu.memory_space<semaphore_mem>>)
      %dma_wait3A_103 = arith.constant 0 : i32
      %dma_wait3A_104 = arith.constant 0 : i32
      %dma_wait3A_105 = tpu.memref_slice %arg6[%run_scoped3A_86, %dma_wait3A_103, %dma_wait3A_104] : memref<3x96x256xf32, #tpu.memory_space<vmem>> -> memref<1x96x256xf32, #tpu.memory_space<vmem>>
      %dma_wait3A_106 = tpu.memref_squeeze %dma_wait3A_105 : memref<1x96x256xf32, #tpu.memory_space<vmem>> -> memref<96x256xf32, #tpu.memory_space<vmem>>
      %dma_wait3A_107 = arith.constant 0 : i32
      %dma_wait3A_108 = tpu.memref_slice %arg4[%add3A_85, %dma_wait3A_107] : memref<9216x256xf32, #tpu.memory_space<hbm>> -> memref<96x256xf32, #tpu.memory_space<hbm>>
      %dma_wait3A_109 = arith.constant 0 : i32
      %dma_wait3A_110 = tpu.memref_slice %arg4[%add3A_85, %dma_wait3A_109] : memref<9216x256xf32, #tpu.memory_space<hbm>> -> memref<96x256xf32, #tpu.memory_space<hbm>>
      %dma_wait3A_111 = arith.constant 0 : i32
      %dma_wait3A_112 = arith.constant 0 : i32
      %dma_wait3A_113 = tpu.memref_slice %arg6[%run_scoped3A_86, %dma_wait3A_111, %dma_wait3A_112] : memref<3x96x256xf32, #tpu.memory_space<vmem>> -> memref<1x96x256xf32, #tpu.memory_space<vmem>>
      %dma_wait3A_114 = tpu.memref_squeeze %dma_wait3A_113 : memref<1x96x256xf32, #tpu.memory_space<vmem>> -> memref<96x256xf32, #tpu.memory_space<vmem>>
      tpu.wait_dma2 semaphore(%run_scoped3A_90 : memref<!tpu.dma_semaphore, #tpu.memory_space<semaphore_mem>>) src(%dma_wait3A_114 : memref<96x256xf32, #tpu.memory_space<vmem>>) dst(%dma_wait3A_110 : memref<96x256xf32, #tpu.memory_space<hbm>>)
      tpu.yield
    }) : () -> ()
    %add3A_87 = arith.constant 192 : i32
    %add3A_88 = arith.addi %mul3A_2, %add3A_87 : i32
    %run_scoped3A_89 = arith.constant 2 : i32
    "tpu.region"() ({
      %run_scoped3A_90 = tpu.sem_alloc : memref<!tpu.dma_semaphore, #tpu.memory_space<semaphore_mem>>
      %dma_start3A_91 = arith.constant 0 : i32
      %dma_start3A_92 = arith.constant 0 : i32
      %dma_start3A_93 = tpu.memref_slice %arg6[%run_scoped3A_89, %dma_start3A_91, %dma_start3A_92] : memref<3x96x256xf32, #tpu.memory_space<vmem>> -> memref<1x96x256xf32, #tpu.memory_space<vmem>>
      %dma_start3A_94 = tpu.memref_squeeze %dma_start3A_93 : memref<1x96x256xf32, #tpu.memory_space<vmem>> -> memref<96x256xf32, #tpu.memory_space<vmem>>
      %dma_start3A_95 = arith.constant 0 : i32
      %dma_start3A_96 = tpu.memref_slice %arg4[%add3A_88, %dma_start3A_95] : memref<9216x256xf32, #tpu.memory_space<hbm>> -> memref<96x256xf32, #tpu.memory_space<hbm>>
      %dma_start3A_97 = arith.constant 0 : i32
      %dma_start3A_98 = tpu.memref_slice %arg4[%add3A_88, %dma_start3A_97] : memref<9216x256xf32, #tpu.memory_space<hbm>> -> memref<96x256xf32, #tpu.memory_space<hbm>>
      %dma_start3A_99 = arith.constant 0 : i32
      %dma_start3A_100 = arith.constant 0 : i32
      %dma_start3A_101 = tpu.memref_slice %arg6[%run_scoped3A_89, %dma_start3A_99, %dma_start3A_100] : memref<3x96x256xf32, #tpu.memory_space<vmem>> -> memref<1x96x256xf32, #tpu.memory_space<vmem>>
      %dma_start3A_102 = tpu.memref_squeeze %dma_start3A_101 : memref<1x96x256xf32, #tpu.memory_space<vmem>> -> memref<96x256xf32, #tpu.memory_space<vmem>>
      tpu.enqueue_dma source(%dma_start3A_102 : memref<96x256xf32, #tpu.memory_space<vmem>>) target(%dma_start3A_98 : memref<96x256xf32, #tpu.memory_space<hbm>>) target_semaphore(%run_scoped3A_90 : memref<!tpu.dma_semaphore, #tpu.memory_space<semaphore_mem>>)
      %dma_wait3A_103 = arith.constant 0 : i32
      %dma_wait3A_104 = arith.constant 0 : i32
      %dma_wait3A_105 = tpu.memref_slice %arg6[%run_scoped3A_89, %dma_wait3A_103, %dma_wait3A_104] : memref<3x96x256xf32, #tpu.memory_space<vmem>> -> memref<1x96x256xf32, #tpu.memory_space<vmem>>
      %dma_wait3A_106 = tpu.memref_squeeze %dma_wait3A_105 : memref<1x96x256xf32, #tpu.memory_space<vmem>> -> memref<96x256xf32, #tpu.memory_space<vmem>>
      %dma_wait3A_107 = arith.constant 0 : i32
      %dma_wait3A_108 = tpu.memref_slice %arg4[%add3A_88, %dma_wait3A_107] : memref<9216x256xf32, #tpu.memory_space<hbm>> -> memref<96x256xf32, #tpu.memory_space<hbm>>
      %dma_wait3A_109 = arith.constant 0 : i32
      %dma_wait3A_110 = tpu.memref_slice %arg4[%add3A_88, %dma_wait3A_109] : memref<9216x256xf32, #tpu.memory_space<hbm>> -> memref<96x256xf32, #tpu.memory_space<hbm>>
      %dma_wait3A_111 = arith.constant 0 : i32
      %dma_wait3A_112 = arith.constant 0 : i32
      %dma_wait3A_113 = tpu.memref_slice %arg6[%run_scoped3A_89, %dma_wait3A_111, %dma_wait3A_112] : memref<3x96x256xf32, #tpu.memory_space<vmem>> -> memref<1x96x256xf32, #tpu.memory_space<vmem>>
      %dma_wait3A_114 = tpu.memref_squeeze %dma_wait3A_113 : memref<1x96x256xf32, #tpu.memory_space<vmem>> -> memref<96x256xf32, #tpu.memory_space<vmem>>
      tpu.wait_dma2 semaphore(%run_scoped3A_90 : memref<!tpu.dma_semaphore, #tpu.memory_space<semaphore_mem>>) src(%dma_wait3A_114 : memref<96x256xf32, #tpu.memory_space<vmem>>) dst(%dma_wait3A_110 : memref<96x256xf32, #tpu.memory_space<hbm>>)
      tpu.yield
    }) : () -> ()
    return
  }
}

module attributes {stable_mosaic.version = 14 : i64} {
  func.func @_argmin_body(%arg0: i32, %arg1: memref<576x1xf32, #tpu.memory_space<vmem>>, %arg2: memref<1x8192xf32, #tpu.memory_space<vmem>>, %arg3: memref<1x8192xf32, #tpu.memory_space<vmem>>, %arg4: memref<576x256xf32, #tpu.memory_space<vmem>>, %arg5: memref<8192x256xf32, #tpu.memory_space<vmem>>, %arg6: memref<576x1xi32, #tpu.memory_space<vmem>>) attributes {dimension_semantics = [#tpu.dimension_semantics<parallel>], iteration_bounds = array<i64: 16>, scalar_prefetch = 0 : i64, scratch_operands = 0 : i64, tpu.core_type = #tpu.core_type<tc>, window_params = [{transform_indices = @transform_0, window_bounds = array<i64: 576, 1>}, {pipeline_mode = #tpu.pipeline_mode<synchronous>, transform_indices = @transform_1, window_bounds = array<i64: 1, 8192>}, {pipeline_mode = #tpu.pipeline_mode<synchronous>, transform_indices = @transform_2, window_bounds = array<i64: 1, 8192>}, {transform_indices = @transform_3, window_bounds = array<i64: 576, 256>}, {pipeline_mode = #tpu.pipeline_mode<synchronous>, transform_indices = @transform_4, window_bounds = array<i64: 8192, 256>}, {transform_indices = @transform_5, window_bounds = array<i64: 576, 1>}]} {
    %get3A = arith.constant 0 : index
    %get3A_0 = arith.constant 0 : index
    %get3A_1 = vector.load %arg4[%get3A, %get3A_0] : memref<576x256xf32, #tpu.memory_space<vmem>>, vector<576x256xf32>
    %get3A_2 = arith.constant 0 : index
    %get3A_3 = arith.constant 0 : index
    %get3A_4 = vector.load %arg4[%get3A_2, %get3A_3] : memref<576x256xf32, #tpu.memory_space<vmem>>, vector<576x256xf32>
    %add3A = arith.addf %get3A_1, %get3A_4 : vector<576x256xf32>
    %get3A_5 = arith.constant 0 : index
    %get3A_6 = arith.constant 0 : index
    %get3A_7 = vector.load %arg5[%get3A_5, %get3A_6] : memref<8192x256xf32, #tpu.memory_space<vmem>>, vector<8192x256xf32>
    %dot_general3A = arith.constant dense<0.000000e+00> : vector<576x8192xf32>
    %dot_general3A_8 = tpu.matmul %add3A, %get3A_7, %dot_general3A {dimension_numbers = #tpu.dot_dimension_numbers<[1], [1], [0], [0], [0, 0, 1, 0], [], []>, transpose_lhs_hint = false} : vector<576x256xf32>, vector<8192x256xf32>, vector<576x8192xf32> -> vector<576x8192xf32>
    %get3A_9 = arith.constant 0 : index
    %get3A_10 = arith.constant 0 : index
    %get3A_11 = vector.load %arg1[%get3A_9, %get3A_10] : memref<576x1xf32, #tpu.memory_space<vmem>>, vector<576x1xf32>
    %get3A_12 = arith.constant 0 : index
    %get3A_13 = arith.constant 0 : index
    %get3A_14 = vector.load %arg2[%get3A_12, %get3A_13] : memref<1x8192xf32, #tpu.memory_space<vmem>>, vector<1x8192xf32>
    %add3A_15 = vector.broadcast %get3A_11 : vector<576x1xf32> to vector<576x8192xf32>
    %add3A_16 = vector.broadcast %get3A_14 : vector<1x8192xf32> to vector<576x8192xf32>
    %add3A_17 = arith.addf %add3A_15, %add3A_16 : vector<576x8192xf32>
    %sub3A = arith.subf %add3A_17, %dot_general3A_8 : vector<576x8192xf32>
    %reduce_min3A = arith.constant dense<0x7F800000> : vector<576xf32>
    %reduce_min3A_18 = vector.multi_reduction <minimumf>, %sub3A, %reduce_min3A [1] : vector<576x8192xf32> to vector<576xf32>
    %broadcast_in_dim3A = vector.shape_cast %reduce_min3A_18 : vector<576xf32> to vector<576x1xf32>
    %eq3A = vector.broadcast %broadcast_in_dim3A : vector<576x1xf32> to vector<576x8192xf32>
    %eq3A_19 = arith.cmpf oeq, %sub3A, %eq3A : vector<576x8192xf32>
    %get3A_20 = arith.constant 0 : index
    %get3A_21 = arith.constant 0 : index
    %get3A_22 = vector.load %arg3[%get3A_20, %get3A_21] : memref<1x8192xf32, #tpu.memory_space<vmem>>, vector<1x8192xf32>
    %jit3A = arith.constant 3.000000e+38 : f32
    %broadcast_in_dim3A_23 = vector.shape_cast %get3A_22 : vector<1x8192xf32> to vector<1x8192xf32>
    %broadcast_in_dim3A_24 = vector.broadcast %broadcast_in_dim3A_23 : vector<1x8192xf32> to vector<576x8192xf32>
    %broadcast_in_dim3A_25 = vector.broadcast %jit3A : f32 to vector<576x8192xf32>
    %select_n3A = arith.select %eq3A_19, %broadcast_in_dim3A_24, %broadcast_in_dim3A_25 : vector<576x8192xi1>, vector<576x8192xf32>
    %reduce_min3A_26 = arith.constant dense<0x7F800000> : vector<576xf32>
    %reduce_min3A_27 = vector.multi_reduction <minimumf>, %select_n3A, %reduce_min3A_26 [1] : vector<576x8192xf32> to vector<576xf32>
    %broadcast_in_dim3A_28 = vector.shape_cast %reduce_min3A_27 : vector<576xf32> to vector<576x1xf32>
    %convert_element_type3A = arith.fptosi %broadcast_in_dim3A_28 : vector<576x1xf32> to vector<576x1xi32>
    %swap3A = arith.constant 0 : index
    %swap3A_29 = arith.constant 0 : index
    %swap3A_30 = vector.load %arg6[%swap3A, %swap3A_29] : memref<576x1xi32, #tpu.memory_space<vmem>>, vector<576x1xi32>
    tpu.vector_store %arg6[%swap3A, %swap3A_29], %convert_element_type3A {strides = array<i32>} : memref<576x1xi32, #tpu.memory_space<vmem>>, vector<576x1xi32>,
    return
  }
  func.func @transform_0(%arg0: i32) -> (i32, i32) {
    %c0_i32 = arith.constant 0 : i32
    %c0_i32_0 = arith.constant 0 : i32
    return %arg0, %c0_i32 : i32, i32
  }
  func.func @transform_1(%arg0: i32) -> (i32, i32) {
    %c0_i32 = arith.constant 0 : i32
    %c0_i32_0 = arith.constant 0 : i32
    %c0_i32_1 = arith.constant 0 : i32
    return %c0_i32, %c0_i32_0 : i32, i32
  }
  func.func @transform_2(%arg0: i32) -> (i32, i32) {
    %c0_i32 = arith.constant 0 : i32
    %c0_i32_0 = arith.constant 0 : i32
    %c0_i32_1 = arith.constant 0 : i32
    return %c0_i32, %c0_i32_0 : i32, i32
  }
  func.func @transform_3(%arg0: i32) -> (i32, i32) {
    %c0_i32 = arith.constant 0 : i32
    %c0_i32_0 = arith.constant 0 : i32
    return %arg0, %c0_i32 : i32, i32
  }
  func.func @transform_4(%arg0: i32) -> (i32, i32) {
    %c0_i32 = arith.constant 0 : i32
    %c0_i32_0 = arith.constant 0 : i32
    %c0_i32_1 = arith.constant 0 : i32
    return %c0_i32, %c0_i32_0 : i32, i32
  }
  func.func @transform_5(%arg0: i32) -> (i32, i32) {
    %c0_i32 = arith.constant 0 : i32
    %c0_i32_0 = arith.constant 0 : i32
    return %arg0, %c0_i32 : i32, i32
  }
}

module attributes {stable_mosaic.version = 14 : i64} {
  func.func @_st_loss_body(%arg0: i32, %arg1: memref<576x256xf32, #tpu.memory_space<vmem>>, %arg2: memref<576x256xf32, #tpu.memory_space<vmem>>, %arg3: memref<1x256x576xf32, #tpu.memory_space<vmem>>, %arg4: memref<1x1xf32, #tpu.memory_space<vmem>>, %arg5: memref<1xf32, #tpu.memory_space<smem>>) attributes {dimension_semantics = [#tpu.dimension_semantics<arbitrary>], iteration_bounds = array<i64: 16>, scalar_prefetch = 0 : i64, scratch_operands = 1 : i64, tpu.core_type = #tpu.core_type<tc>, window_params = [{transform_indices = @transform_0, window_bounds = array<i64: 576, 256>}, {transform_indices = @transform_1, window_bounds = array<i64: 576, 256>}, {transform_indices = @transform_2, window_bounds = array<i64: 1, 256, 576>}, {pipeline_mode = #tpu.pipeline_mode<synchronous>, transform_indices = @transform_3, window_bounds = array<i64: 1, 1>}]} {
    %get3A = arith.constant 0 : index
    %get3A_0 = arith.constant 0 : index
    %get3A_1 = vector.load %arg1[%get3A, %get3A_0] : memref<576x256xf32, #tpu.memory_space<vmem>>, vector<576x256xf32>
    %get3A_2 = arith.constant 0 : index
    %get3A_3 = arith.constant 0 : index
    %get3A_4 = vector.load %arg2[%get3A_2, %get3A_3] : memref<576x256xf32, #tpu.memory_space<vmem>>, vector<576x256xf32>
    %sub3A = arith.subf %get3A_4, %get3A_1 : vector<576x256xf32>
    %add3A = arith.addf %sub3A, %get3A_1 : vector<576x256xf32>
    %transpose3A = tpu.transpose %add3A, [1, 0] : vector<576x256xf32> -> vector<256x576xf32>
    %reshape3A = vector.shape_cast %transpose3A : vector<256x576xf32> to vector<1x256x576xf32>
    %swap3A = arith.constant 0 : index
    %swap3A_5 = arith.constant 0 : index
    %swap3A_6 = arith.constant 0 : index
    %swap3A_7 = vector.load %arg3[%swap3A, %swap3A_5, %swap3A_6] : memref<1x256x576xf32, #tpu.memory_space<vmem>>, vector<1x256x576xf32>
    tpu.vector_store %arg3[%swap3A, %swap3A_5, %swap3A_6], %reshape3A {strides = array<i32>} : memref<1x256x576xf32, #tpu.memory_space<vmem>>, vector<1x256x576xf32>,
    %sub3A_8 = arith.subf %get3A_1, %get3A_4 : vector<576x256xf32>
    %integer_pow3A = arith.mulf %sub3A_8, %sub3A_8 : vector<576x256xf32>
    %reduce_sum3A = vector.shape_cast %integer_pow3A : vector<576x256xf32> to vector<1x576x256xf32>
    %reduce_sum3A_9 = arith.constant dense<0.000000e+00> : vector<1xf32>
    %reduce_sum3A_10 = vector.multi_reduction <add>, %reduce_sum3A, %reduce_sum3A_9 [1, 2] : vector<1x576x256xf32> to vector<1xf32>
    %reduce_sum3A_11 = vector.shape_cast %reduce_sum3A_10 : vector<1xf32> to vector<1x1x1xf32>
    %reduce_sum3A_12 = vector.extract %reduce_sum3A_11[0, 0, 0] : f32 from vector<1x1x1xf32>
    %eq3A = arith.constant 0 : i32
    %eq3A_13 = arith.cmpi eq, %arg0, %eq3A : i32
    %get3A_14 = arith.constant 0 : index
    %get3A_15 = memref.load %arg5[%get3A_14] : memref<1xf32, #tpu.memory_space<smem>>
    %add3A_16 = arith.addf %get3A_15, %reduce_sum3A_12 : f32
    %select_n3A = arith.select %eq3A_13, %reduce_sum3A_12, %add3A_16 : f32
    %swap3A_17 = arith.constant 0 : index
    %swap3A_18 = memref.load %arg5[%swap3A_17] : memref<1xf32, #tpu.memory_space<smem>>
    memref.store %select_n3A, %arg5[%swap3A_17] : memref<1xf32, #tpu.memory_space<smem>>
    %get3A_19 = arith.constant 0 : index
    %get3A_20 = memref.load %arg5[%get3A_19] : memref<1xf32, #tpu.memory_space<smem>>
    %div3A = arith.constant 0x4A100000 : f32
    %div3A_21 = arith.divf %get3A_20, %div3A : f32
    %mul3A = arith.constant 2.500000e-01 : f32
    %mul3A_22 = arith.mulf %mul3A, %div3A_21 : f32
    %add3A_23 = arith.addf %div3A_21, %mul3A_22 : f32
    %broadcast_in_dim3A = vector.broadcast %add3A_23 : f32 to vector<1x1xf32>
    %swap3A_24 = arith.constant 0 : index
    %swap3A_25 = arith.constant 0 : index
    %swap3A_26 = vector.load %arg4[%swap3A_24, %swap3A_25] : memref<1x1xf32, #tpu.memory_space<vmem>>, vector<1x1xf32>
    tpu.vector_store %arg4[%swap3A_24, %swap3A_25], %broadcast_in_dim3A {strides = array<i32>} : memref<1x1xf32, #tpu.memory_space<vmem>>, vector<1x1xf32>,
    return
  }
  func.func @transform_0(%arg0: i32) -> (i32, i32) {
    %c0_i32 = arith.constant 0 : i32
    %c0_i32_0 = arith.constant 0 : i32
    return %arg0, %c0_i32 : i32, i32
  }
  func.func @transform_1(%arg0: i32) -> (i32, i32) {
    %c0_i32 = arith.constant 0 : i32
    %c0_i32_0 = arith.constant 0 : i32
    return %arg0, %c0_i32 : i32, i32
  }
  func.func @transform_2(%arg0: i32) -> (i32, i32, i32) {
    %c0_i32 = arith.constant 0 : i32
    %c0_i32_0 = arith.constant 0 : i32
    %c0_i32_1 = arith.constant 0 : i32
    return %arg0, %c0_i32, %c0_i32_0 : i32, i32, i32
  }
  func.func @transform_3(%arg0: i32) -> (i32, i32) {
    %c0_i32 = arith.constant 0 : i32
    %c0_i32_0 = arith.constant 0 : i32
    %c0_i32_1 = arith.constant 0 : i32
    return %c0_i32, %c0_i32_0 : i32, i32
  }
}

</mosaic_0001>

<sc_bundles>
// kernel: kernel.5.cloned.1.call-start
scs
__scs_entry_jumppad:
0x0: {  	(pc) =	sbr.rel $0x88, $3  }
0x1: {  	(tag) =	ssettag $0x0;
	lr =	simm.s32 $0x1  }
0x2: {  	[smem:$0x3F9F] =	sst lr;
	_ =	strace $0xD0000000  }
0x3: {  	_ = 	snop  }
0x4: {  	_ = 	snop  }
0x5: {  	_ = 	snop  }
0x6: {  	_ = 	snop  }
0x7: {  	_ = 	snop  }
__scs_overlays_trampoline_lowered:
0x8: {  	[smem:$0x3FAE] =	sst s0  }
0x9: {  	[smem:$0x3FAF] =	sst s1  }
0xa: {  	[smem:$0x3FB0] =	sst s2  }
0xb: {  	[smem:$0x3FB1] =	sst s3  }
0xc: {  	[smem:$0x3FB2] =	sst s4  }
0xd: {  	[smem:$0x3FB3] =	sst s5  }
0xe: {  	[smem:$0x3FB4] =	sst s6  }
0xf: {  	[smem:$0x3FB5] =	sst s7  }
0x10: {  	[smem:$0x3FB6] =	sst s8  }
0x11: {  	[smem:$0x3FB7] =	sst s9;
	s0 =	simm.s32 @!p0 $0x0  }
0x12: {  	s1 =	sld [smem:$0x3F9D];
	s0 =	simm.s32 @p0 $0x1  }
0x13: {  	[smem:$0x3FB8] =	sst s0;
	s0 =	simm.s32 @!p1 $0x0  }
0x14: {  	s2 =	sld [smem:$0x3F9C];
	s0 =	simm.s32 @p1 $0x1  }
0x15: {  	[smem:$0x3FB9] =	sst s0;
	s0 =	simm.s32 @!p2 $0x0  }
0x16: {  	s3 =	sld [smem:$0x3FDB];
	s0 =	simm.s32 @p2 $0x1  }
0x17: {  	s4 =	simm.s32 $0x1BF5;
	[smem:$0x3FBB] =	sst s0  }
0x18: {  	s0 =	sld [smem:$0x3F9E];
	_ =	swait.ge [sflag:s4], $0x0  }
0x19: {  	s7 =	sld [smem:$0x3F9F]  }
0x1a: {  	s8 =	sadd.s32 $0xFFFFE003, lr  }
0x1b: {  	s9 =	sadd.s32 $0xFFFFFEF7, lr;
	s5 =	simm.s32 $0xFFFFFFFF;
	p2 =	slt.u32 s8, $0xFFFFF086  }
0x1c: {  	p1 =	slt.u32 s9, $0xF7A;
	s5 =	simm.s32 @!p2 $0x0  }
0x1d: {  	s5 =	simm.s32 @p1 $0x1;
	p0 =	seq.s32 s7, s2  }
0x1e: {  	s7 =	smul.u32 @!p0 $0xF7A, s2;
	p2 =	seq.s32 @!p0 s5, $0x0  }
0x1f: {  	s9 =	smul.u32 $0xF7A, s1;
	s8 =	simm.s32 @!p0 $0x1BF5;
	p2 =	por !p2, p0  }
0x20: {  	[sflag:s8] =	ssyncset.s32 @!p0 $0xFFFFF086;
	s6 =	sadd.s32 @!p0 s3, s7;
	s7 =	simm.s32 @!p0 $0x108  }
0x21: {  	s3 =	sadd.s32 s3, s9;
	s6 =	sadd.s32 @!p0 $0x88, s6;
	s7 =	simm.s32 @p2 $0x1082  }
0x22: {  	[simem:s7], [sflag:s8] =	dma.local @!p0 [hbm:s6], $0xF7A  }
0x23: {  	s9 =	sor.u32 $0xD0000000, s2;
	s6 =	simm.s32 $0x108;
	_ =	swait.ge @!p0 [sflag:s8], $0x0  }
0x24: {  	s3 =	sadd.s32 $0x88, s3;
	s6 =	simm.s32 @!p1 $0x1082;
	[sflag:s4] =	ssyncset.s32 $0xFFFFF086  }
0x25: {  	[simem:s6], [sflag:s4] =	dma.local [hbm:s3], $0xF7A  }
0x26: {  	[smem:$0x3F9F] =	sst s1;
	(tag) =	ssettag s2;
	_ =	strace s9  }
0x27: {  	s1 =	sld [smem:$0x3FAF]  }
0x28: {  	s2 =	sld [smem:$0x3FB0]  }
0x29: {  	s4 =	sld [smem:$0x3FB2]  }
0x2a: {  	p0 =	seq.s32 s5, $0x0;
	s5 =	sld [smem:$0x3FB3]  }
0x2b: {  	s6 =	sld [smem:$0x3FB4]  }
0x2c: {  	s7 =	sld [smem:$0x3FB5]  }
0x2d: {  	s3 =	simm.s32 $0x108;
	s8 =	sld [smem:$0x3FB6]  }
0x2e: {  	s3 =	simm.s32 @!p0 $0x1082;
	s9 =	sld [smem:$0x3FB7]  }
0x2f: {  	lr =	sadd.s32 s0, s3;
	s0 =	sld [smem:$0x3FAE]  }
0x30: {  	s3 =	sld [smem:$0x3FB1]  }
0x31: {  	[smem:$0x3FBA] =	sst s10  }
0x32: {  	s10 =	sld [smem:$0x3FB8];
	_ =	sdelay $0x3  }
0x33: {  	p0 =	seq.s32 s10, $0x1;
	s10 =	sld [smem:$0x3FBA];
	_ =	sdelay $0x3  }
0x34: {  	[smem:$0x3FBA] =	sst s10  }
0x35: {  	s10 =	sld [smem:$0x3FB9];
	_ =	sdelay $0x3  }
0x36: {  	p1 =	seq.s32 s10, $0x1;
	s10 =	sld [smem:$0x3FBA];
	_ =	sdelay $0x3  }
0x37: {  	[smem:$0x3FBA] =	sst s10  }
0x38: {  	s10 =	sld [smem:$0x3FBB]  }
0x39: {  	_ = 	snop;
	(pc) =	sbr.ind lr, $3  }
0x3a: {  	_ = 	snop  }
0x3b: {  	_ = 	snop  }
0x3c: {  	p2 =	seq.s32 s10, $0x1;
	s10 =	sld [smem:$0x3FBA]  }
0x3d: {  	_ =	shalt  }
0x3e: {  	_ =	shalt  }
0x3f: {  	_ =	shalt  }
0x40: {  	_ =	shalt  }
0x41: {  	_ =	shalt  }
0x42: {  	_ =	shalt  }
0x43: {  	_ =	shalt  }
0x44: {  	_ =	shalt  }
0x45: {  	_ =	shalt  }
0x46: {  	_ =	shalt  }
0x47: {  	_ =	shalt  }
0x48: {  	_ =	shalt  }
0x49: {  	_ =	shalt  }
0x4a: {  	_ =	shalt  }
0x4b: {  	_ =	shalt  }
0x4c: {  	_ =	shalt  }
0x4d: {  	_ =	shalt  }
0x4e: {  	_ =	shalt  }
0x4f: {  	_ =	shalt  }
0x50: {  	_ =	shalt  }
0x51: {  	_ =	shalt  }
0x52: {  	_ =	shalt  }
0x53: {  	_ =	shalt  }
0x54: {  	_ =	shalt  }
0x55: {  	_ =	shalt  }
0x56: {  	_ =	shalt  }
0x57: {  	_ =	shalt  }
0x58: {  	_ =	shalt  }
0x59: {  	_ =	shalt  }
0x5a: {  	_ =	shalt  }
0x5b: {  	_ =	shalt  }
0x5c: {  	_ =	shalt  }
0x5d: {  	_ =	shalt  }
0x5e: {  	_ =	shalt  }
0x5f: {  	_ =	shalt  }
0x60: {  	_ =	shalt  }
0x61: {  	_ =	shalt  }
0x62: {  	_ =	shalt  }
0x63: {  	_ =	shalt  }
0x64: {  	_ =	shalt  }
0x65: {  	_ =	shalt  }
0x66: {  	_ =	shalt  }
0x67: {  	_ =	shalt  }
0x68: {  	_ =	shalt  }
0x69: {  	_ =	shalt  }
0x6a: {  	_ =	shalt  }
0x6b: {  	_ =	shalt  }
0x6c: {  	_ =	shalt  }
0x6d: {  	_ =	shalt  }
0x6e: {  	_ =	shalt  }
0x6f: {  	_ =	shalt  }
0x70: {  	_ =	shalt  }
0x71: {  	_ =	shalt  }
0x72: {  	_ =	shalt  }
0x73: {  	_ =	shalt  }
0x74: {  	_ =	shalt  }
0x75: {  	_ =	shalt  }
0x76: {  	_ =	shalt  }
0x77: {  	_ =	shalt  }
0x78: {  	_ =	shalt  }
0x79: {  	_ =	shalt  }
0x7a: {  	_ =	shalt  }
0x7b: {  	_ =	shalt  }
0x7c: {  	_ =	shalt  }
0x7d: {  	_ =	shalt  }
0x7e: {  	_ =	shalt  }
0x7f: {  	_ =	shalt  }
0x80: {  	_ =	shalt  }
0x81: {  	_ =	shalt  }
0x82: {  	_ =	shalt  }
0x83: {  	_ =	shalt  }
0x84: {  	_ =	shalt  }
0x85: {  	_ =	shalt  }
0x86: {  	_ =	shalt  }
0x87: {  	_ =	shalt  }
.Lfunc_end0:
.L_simem_size_0:
called_computation_lowered:
.L_overlay_start_0:
0x88: {  	s2 =	sld [smem:$0x3FD9]  }
0x89: {  	s3 =	sld [smem:$0x3FFE];
	_ =	sdelay $0x1  }
0x8a: {  	s1 =	srdreg.scid  }
0x8b: {  	s0 =	sand.u32 $0x1, s1  }
0x8c: {  	s14 =	sshll.u32 s0, $0xA;
	s2 =	sadd.s32 s3, s2  }
0x8d: {  	s2 =	sadd.s32 s2, s14  }
0x8e: {  	[smem:$0x3FC6] =	sst s2  }
0x8f: {  	_ = 	snop  }
0x90: {  	s2 =	sld [smem:$0x3FD0];
	_ =	sdelay $0x2  }
0x91: {  	s4 =	simm.s32 $0xA;
	s5 =	simm.s32 $0x10;
	s15 =	sld [smem:$0x3FC8]  }
0x92: {  	[smem:s5], [sflag:s4] =	dma.local [hbm:s2], $0x1  }
0x93: {  	_ =	swait.eq [sflag:s4], $0x1  }
0x94: {  	[sflag:s4] =	ssyncset.done $0x0  }
0x95: {  	[sflag:s4] =	ssyncadd.s32 $0xFFFFFFFF  }
0x96: {  	s16 =	sld [smem:$0x10];
	(tm) =	ssettm $0x1  }
0x97: {  	s17 =	sld [smem:$0x3FFB];
	_ =	sdelay $0x3  }
0x98: {  	_ =	strace s17  }
0x99: {  	s4 =	sld [smem:$0x3FFC];
	_ =	sdelay $0x3  }
0x9a: {  	_ =	strace s4  }
0x9b: {  	s4 =	sld [smem:$0x3FFD];
	_ =	sdelay $0x3  }
0x9c: {  	_ =	strace s4  }
0x9d: {  	_ =	strace $0x8FFFFFFF  }
0x9e: {  	s18 =	sld [smem:$0x3FDB];
	_ =	sdelay $0x1  }
0x9f: {  	s19 =	simm.s32 $_scs_section_size  }
0xa0: {  	s6 =	simm.s32 $_size__tile_overlayer_lowered;
	s7 =	simm.s32 $_tile_overlayer_lowered  }
0xa1: {  	s22 =	simm.s32 $0x1BFF;
	s21 =	sshll.u32 s7, $0x1;
	s4 =	sadd.s32 s19, s18  }
0xa2: {  	s8 =	simm.s32 $0x0;
	s20 =	sshll.u32 s6, $0x1;
	s6 =	sadd.s32 s21, s4  }
0xa3: {  	[timem:s8], [sflag:s22] =	dma.local [hbm:s6], s20  }
0xa4: {  	_ =	swait.ge [sflag:s22], s20  }
0xa5: {  	s5 =	ssub.s32 $0x0, s20;
	[sflag:s22] =	ssyncset.done $0x0  }
0xa6: {  	[sflag:s22] =	ssyncadd.s32 s5;
	_ =	sdelay $0x1  }
0xa7: {  	s23 =	simm.s32 $0x1B8B  }
0xa8: {  	_ =	swait.ge [sflag:s23], $0x1  }
0xa9: {  	[sflag:s23] =	ssyncset.done $0x0  }
0xaa: {  	s25 =	simm.s32 $0x1B8E;
	s24 =	sld [smem:$0x3FFE];
	[sflag:s23] =	ssyncadd.s32 $0xFFFFFFFF  }
0xab: {  	s26 =	simm.s32 $execute0_lowered;
	[smem:$0x3FD2] =	sst s25  }
0xac: {  	s6 =	sshll.u32 s26, $0x1;
	_ =	strace $0x80000046;
	[dreg:$0x1] =	wrdreg $0xFFFFFFFF  }
0xad: {  	s28 =	simm.s32 $_size_execute0_lowered;
	s4 =	sadd.s32 s4, s6;
	[dreg:$0x0] =	wrdreg $0x0  }
0xae: {  	s6 =	sshll.u32 s28, $0x1;
	[dreg:$0x2] =	wrdreg s4  }
0xaf: {  	[dreg:$0x3] =	wrdreg s6  }
0xb0: {  	[dreg:$0x4] =	wrdreg $0xC0  }
0xb1: {  	_ =	task [dreg:s8], $0x5FFFF  }
0xb2: {  	[dreg:$0x1] =	wrdreg $0xFFFFFFFF  }
0xb3: {  	[dreg:$0x0] =	wrdreg $0x60  }
0xb4: {  	[dreg:$0x2] =	wrdreg s15  }
0xb5: {  	[dreg:$0x3] =	wrdreg s24  }
0xb6: {  	[dreg:$0x4] =	wrdreg s16  }
0xb7: {  	[dreg:$0x5] =	wrdreg $0x9  }
0xb8: {  	_ =	task.clear_ibuf [dreg:s8], $0x6FFFF;
	_ =	strace $0x90000046  }
0xb9: {  	s29 =	simm.s32 $0x9;
	_ =	strace $0x80000048  }
0xba: {  	_ =	swait.ge [sflag:s29], $0x1  }
0xbb: {  	[sflag:s29] =	ssyncadd.s32 $0xFFFFFFFF  }
0xbc: {  	_ =	strace $0x90000048  }
0xbd: {  	_ =	sfence  }
0xbe: {  	s30 =	sld [smem:$0x0];
	_ =	sdelay $0x2  }
0xbf: {  	s31 =	sshll.u32 s1, $0xD;
	s1 =	sshrl.u32 s1, $0x2  }
0xc0: {  	s3 =	sand.u32 $0x4000, s31;
	s1 =	sadd.s32 s1, s30  }
0xc1: {  	s0 =	sor.u32 s3, s0;
	s1 =	sshll.u32 s1, $0x11  }
0xc2: {  	s0 =	sor.u32 s1, s0  }
0xc3: {  	s0 =	sadd.s32 $0x8F2B, s0  }
0xc4: {  	[sflag:s0] =	ssyncadd.remote.s32 $0x1  }
0xc5: {  	_ =	sfence.sel $0xFFFF  }
0xc6: {  	[dreg:$0x0] =	wrdreg $0xFFFFFFFF;
	(pc) =	sbr.abs _section_cstart, $3  }
0xc7: {  	[dreg:$0x1] =	wrdreg $0xFFFFFFFF  }
0xc8: {  	_ =	task.clear_ibuf [dreg:s8], $0x2FFFF;
	_ =	strace $0x9FFFFFFF  }
0xc9: {  	(tm) =	ssettm $0x7FFFFFFF  }
tec
execute0_lowered:
.L_overlay_start_1:
0x0: {  	(tag) =	ssettag $0x1  }
0x1: {  	s2 =	srdreg.scid  }
0x2: {  	s0 =	stileid.u32;
	s1 =	rddreg [dreg:$0x0]  }
0x3: {  	s4 =	rddreg [dreg:$0x1];
	s2 =	sand.u32 $0x1, s2;
	s3 =	sshll.u32 s0, $0x1  }
0x4: {  	s6 =	rddreg [dreg:$0x2];
	s5 =	sor.u32 s2, s3;
	s3 =	simm.s32 $0x0  }
0x5: {  	s13 =	simm.s32 $0x80;
	[smem:$0x7FF] =	sst s3  }
0x6: {  	s14 =	simm.s32 $0x100;
	_ =	strace $0x80000047;
	[dreg:$0xa] =	wrdreg s13  }
0x7: {  	s15 =	simm.s32 $0xA00;
	[dreg:$0xb] =	wrdreg s14  }
0x8: {  	s16 =	simm.s32 $0x1200;
	[dreg:$0xc] =	wrdreg s15  }
0x9: {  	s17 =	simm.s32 $0x1A00;
	[dreg:$0xd] =	wrdreg s16  }
0xa: {  	s18 =	simm.s32 $0x2200;
	s19 =	simm.s32 $0x2A00;
	[dreg:$0xe] =	wrdreg s17  }
0xb: {  	s20 =	simm.s32 $0x3200;
	s21 =	simm.s32 $0x3A00;
	[dreg:$0xf] =	wrdreg s18  }
0xc: {  	s23 =	simm.s32 $0x4200;
	s24 =	simm.s32 $0x4A00;
	[dreg:$0x10] =	wrdreg s19  }
0xd: {  	s25 =	simm.s32 $0x5200;
	s26 =	simm.s32 $0x5A00;
	[dreg:$0x11] =	wrdreg s20  }
0xe: {  	s28 =	simm.s32 $0x10200;
	s29 =	simm.s32 $0x10A00;
	[dreg:$0x12] =	wrdreg s21  }
0xf: {  	s30 =	simm.s32 $0x11200;
	s31 =	simm.s32 $0x11A00;
	[dreg:$0x13] =	wrdreg s23  }
0x10: {  	s4 =	sadd.s32 $0xC00, s4;
	s2 =	ssub.s32 $0x2, s2;
	[dreg:$0x14] =	wrdreg s24  }
0x11: {  	s7 =	smul.u32 $0x120, s5;
	s22 =	sshrl.u32 s2, $0x1;
	[dreg:$0x15] =	wrdreg s25  }
0x12: {  	s5 =	smul.u32 $0x2400, s5;
	s2 =	ssub.s32 s2, s22;
	[dreg:$0x16] =	wrdreg s26  }
0x13: {  	s13 =	simm.s32 $0x9200;
	s14 =	simm.s32 $0x9A00;
	s15 =	simm.s32 $0xA200  }
0x14: {  	s16 =	simm.s32 $0xAA00;
	s17 =	simm.s32 $0xB200;
	s18 =	simm.s32 $0xBA00  }
0x15: {  	s19 =	simm.s32 $0xC200;
	s20 =	simm.s32 $0xCA00;
	s21 =	simm.s32 $0xD200  }
0x16: {  	s22 =	simm.s32 $0xDA00;
	s23 =	simm.s32 $0xE200;
	s24 =	simm.s32 $0xEA00  }
0x17: {  	s25 =	simm.s32 $0xF200;
	s26 =	simm.s32 $0xFA00;
	s8 =	sshrl.u32 s7, $0x3  }
0x18: {  	s9 =	sadd.s32 $0x60, s7;
	s7 =	sadd.s32 $0xC0, s7;
	s8 =	sadd.s32 s4, s8  }
0x19: {  	s0 =	sshrl.u32 s9, $0x3;
	s10 =	sshrl.u32 s7, $0x3;
	s9 =	sshll.u32 s9, $0x5  }
0x1a: {  	s11 =	sshll.u32 s7, $0x5;
	[dreg:$0x4] =	wrdreg s8;
	s8 =	sadd.s32 s4, s0  }
0x1b: {  	s7 =	simm.s32 $0x6200;
	s4 =	sadd.s32 s4, s10;
	[dreg:$0x5] =	wrdreg s8  }
0x1c: {  	s10 =	sadd.s32 s6, s9;
	s12 =	sadd.s32 s6, s11;
	[dreg:$0x6] =	wrdreg s4  }
0x1d: {  	s9 =	simm.s32 $0x7200;
	s11 =	simm.s32 $0x8200;
	[dreg:$0x8] =	wrdreg s10  }
0x1e: {  	v2 =	vlaneseq.u32;
	s8 =	sadd.s32 s6, s5;
	[dreg:$0x9] =	wrdreg s12;
	s4 =	smax.u32 s2, $0x1  }
0x1f: {  	vm0 =	vmmov $0xffff;
	v1 =	vshrl.u32 v2, $0x3;
	s5 =	simm.s32 $0x2;
	s6 =	simm.s32 $0x200;
	s10 =	simm.s32 $0x7A00  }
0x20: {  	v0 =	vand.u32 $0x7, v2;
	v2 =	vor.u32 $0x8, v2;
	v1 =	vmul.u32 $0x8, v1;
	s12 =	simm.s32 $0x8A00;
	s2 =	simm.s32 $0x1;
	[dreg:$0x7] =	wrdreg s8  }
.LBB2_1:
0x21: {  	s0 =	rddreg [dreg:$0x4]  }
0x22: {  	[tilespmem:s3], [sflag:$0x2] =	stream.linear.gather [hbm4b:s0+s3], $0x60, $0x38;
	[tilespmem:$0x12200] =	vst v63  }
0x23: {  	_ =	swait.ge [sflag:s5], $0x60  }
0x24: {  	s0 =	rddreg [dreg:$0x5];
	[sflag:s5] =	ssyncset.done $0x0  }
0x25: {  	s8 =	rddreg [dreg:$0xa];
	[sflag:s5] =	ssyncadd.s32 $0xFFFFFFA0  }
0x26: {  	[tilespmem:s8], [sflag:$0x2] =	stream.linear.gather [hbm4b:s0+s3], $0x60, $0x38;
	[tilespmem:$0x12200] =	vst v63  }
0x27: {  	_ =	swait.ge [sflag:s5], $0x60  }
0x28: {  	s0 =	rddreg [dreg:$0x6];
	[sflag:s5] =	ssyncset.done $0x0  }
0x29: {  	s8 =	rddreg [dreg:$0xb];
	[sflag:s5] =	ssyncadd.s32 $0xFFFFFFA0  }
0x2a: {  	[tilespmem:s8], [sflag:$0x2] =	stream.linear.gather [hbm4b:s0+s3], $0x60, $0x38;
	[tilespmem:$0x12200] =	vst v63  }
0x2b: {  	_ =	swait.ge [sflag:s5], $0x60  }
0x2c: {  	[sflag:s5] =	ssyncset.done $0x0  }
0x2d: {  	[sflag:s5] =	ssyncadd.s32 $0xFFFFFFA0  }
0x2e: {  	v3 =	vld [tilespmem:$0x0];
	_ =	sdelay $0x4  }
0x2f: {  	v4 =	vshll.u32 v3, $0x1  }
0x30: {  	v3 =	vand.u32 $0x7, v3;
	v4 =	vand.u32 $0xFFFFFFF0, v4  }
0x31: {  	v3 =	vor.u32 v3, v4  }
0x32: {  	v4 =	vperm.xlane v3, v0;
	_ =	sdelay $0x1  }
0x33: {  	v3 =	vperm.xlane v3, v2;
	v4 =	vadd.s32 v1, v4;
	_ =	sdelay $0x1  }
0x34: {  	v3 =	vadd.s32 v1, v3;
	_ =	sdelay $0x2  }
0x35: {  	[tilespmem:s6], [sflag:$0x1] =	stream.indirect_vreg.gather [hbm4b:s1+s3], $0x80, v4, vm0, $0xb8;
	[tilespmem:$0x12200] =	vst v63  }
0x36: {  	s8 =	rddreg [dreg:$0xc]  }
0x37: {  	[tilespmem:s8], [sflag:$0x1] =	stream.indirect_vreg.gather [hbm4b:s1+s3], $0x80, v3, vm0, $0xb8;
	[tilespmem:$0x12200] =	vst v63  }
0x38: {  	v3 =	vld [tilespmem:$0x10];
	_ =	sdelay $0x4  }
0x39: {  	v47 =	vshll.u32 v3, $0x1  }
0x3a: {  	v3 =	vand.u32 $0x7, v3;
	v4 =	vand.u32 $0xFFFFFFF0, v47  }
0x3b: {  	v3 =	vor.u32 v3, v4  }
0x3c: {  	v4 =	vperm.xlane v3, v0;
	_ =	sdelay $0x1  }
0x3d: {  	v3 =	vperm.xlane v3, v2;
	v4 =	vadd.s32 v1, v4;
	_ =	sdelay $0x1  }
0x3e: {  	v3 =	vadd.s32 v1, v3;
	_ =	sdelay $0x1  }
0x3f: {  	s0 =	rddreg [dreg:$0xd]  }
0x40: {  	[tilespmem:s0], [sflag:$0x1] =	stream.indirect_vreg.gather [hbm4b:s1+s3], $0x80, v4, vm0, $0xb8;
	[tilespmem:$0x12200] =	vst v63  }
0x41: {  	s8 =	rddreg [dreg:$0xe]  }
0x42: {  	[tilespmem:s8], [sflag:$0x1] =	stream.indirect_vreg.gather [hbm4b:s1+s3], $0x80, v3, vm0, $0xb8;
	[tilespmem:$0x12200] =	vst v63  }
0x43: {  	v3 =	vld [tilespmem:$0x20];
	_ =	sdelay $0x4  }
0x44: {  	v48 =	vshll.u32 v3, $0x1  }
0x45: {  	v3 =	vand.u32 $0x7, v3;
	v4 =	vand.u32 $0xFFFFFFF0, v48  }
0x46: {  	v3 =	vor.u32 v3, v4  }
0x47: {  	v4 =	vperm.xlane v3, v0;
	_ =	sdelay $0x1  }
0x48: {  	v3 =	vperm.xlane v3, v2;
	v4 =	vadd.s32 v1, v4;
	_ =	sdelay $0x1  }
0x49: {  	v3 =	vadd.s32 v1, v3;
	_ =	sdelay $0x1  }
0x4a: {  	s0 =	rddreg [dreg:$0xf]  }
0x4b: {  	[tilespmem:s0], [sflag:$0x1] =	stream.indirect_vreg.gather [hbm4b:s1+s3], $0x80, v4, vm0, $0xb8;
	[tilespmem:$0x12200] =	vst v63  }
0x4c: {  	s8 =	rddreg [dreg:$0x10]  }
0x4d: {  	[tilespmem:s8], [sflag:$0x1] =	stream.indirect_vreg.gather [hbm4b:s1+s3], $0x80, v3, vm0, $0xb8;
	[tilespmem:$0x12200] =	vst v63  }
0x4e: {  	v3 =	vld [tilespmem:$0x30];
	_ =	sdelay $0x4  }
0x4f: {  	v49 =	vshll.u32 v3, $0x1  }
0x50: {  	v3 =	vand.u32 $0x7, v3;
	v4 =	vand.u32 $0xFFFFFFF0, v49  }
0x51: {  	v3 =	vor.u32 v3, v4  }
0x52: {  	v4 =	vperm.xlane v3, v0;
	_ =	sdelay $0x1  }
0x53: {  	v3 =	vperm.xlane v3, v2;
	v4 =	vadd.s32 v1, v4;
	_ =	sdelay $0x1  }
0x54: {  	v3 =	vadd.s32 v1, v3;
	_ =	sdelay $0x1  }
0x55: {  	s0 =	rddreg [dreg:$0x11]  }
0x56: {  	[tilespmem:s0], [sflag:$0x1] =	stream.indirect_vreg.gather [hbm4b:s1+s3], $0x80, v4, vm0, $0xb8;
	[tilespmem:$0x12200] =	vst v63  }
0x57: {  	s8 =	rddreg [dreg:$0x12]  }
0x58: {  	[tilespmem:s8], [sflag:$0x1] =	stream.indirect_vreg.gather [hbm4b:s1+s3], $0x80, v3, vm0, $0xb8;
	[tilespmem:$0x12200] =	vst v63  }
0x59: {  	v3 =	vld [tilespmem:$0x40];
	_ =	sdelay $0x4  }
0x5a: {  	v50 =	vshll.u32 v3, $0x1  }
0x5b: {  	v3 =	vand.u32 $0x7, v3;
	v4 =	vand.u32 $0xFFFFFFF0, v50  }
0x5c: {  	v3 =	vor.u32 v3, v4  }
0x5d: {  	v4 =	vperm.xlane v3, v0;
	_ =	sdelay $0x1  }
0x5e: {  	v3 =	vperm.xlane v3, v2;
	v4 =	vadd.s32 v1, v4;
	_ =	sdelay $0x1  }
0x5f: {  	v3 =	vadd.s32 v1, v3;
	_ =	sdelay $0x1  }
0x60: {  	s0 =	rddreg [dreg:$0x13]  }
0x61: {  	[tilespmem:s0], [sflag:$0x1] =	stream.indirect_vreg.gather [hbm4b:s1+s3], $0x80, v4, vm0, $0xb8;
	[tilespmem:$0x12200] =	vst v63  }
0x62: {  	s8 =	rddreg [dreg:$0x14]  }
0x63: {  	[tilespmem:s8], [sflag:$0x1] =	stream.indirect_vreg.gather [hbm4b:s1+s3], $0x80, v3, vm0, $0xb8;
	[tilespmem:$0x12200] =	vst v63  }
0x64: {  	v3 =	vld [tilespmem:$0x50];
	_ =	sdelay $0x4  }
0x65: {  	v51 =	vshll.u32 v3, $0x1  }
0x66: {  	v3 =	vand.u32 $0x7, v3;
	v4 =	vand.u32 $0xFFFFFFF0, v51  }
0x67: {  	v3 =	vor.u32 v3, v4  }
0x68: {  	v4 =	vperm.xlane v3, v0;
	_ =	sdelay $0x1  }
0x69: {  	v3 =	vperm.xlane v3, v2;
	v4 =	vadd.s32 v1, v4;
	_ =	sdelay $0x1  }
0x6a: {  	v3 =	vadd.s32 v1, v3;
	_ =	sdelay $0x1  }
0x6b: {  	s0 =	rddreg [dreg:$0x15]  }
0x6c: {  	[tilespmem:s0], [sflag:$0x1] =	stream.indirect_vreg.gather [hbm4b:s1+s3], $0x80, v4, vm0, $0xb8;
	[tilespmem:$0x12200] =	vst v63  }
0x6d: {  	s8 =	rddreg [dreg:$0x16]  }
0x6e: {  	[tilespmem:s8], [sflag:$0x1] =	stream.indirect_vreg.gather [hbm4b:s1+s3], $0x80, v3, vm0, $0xb8;
	[tilespmem:$0x12200] =	vst v63  }
0x6f: {  	v3 =	vld [tilespmem:$0x80];
	_ =	sdelay $0x4  }
0x70: {  	v52 =	vshll.u32 v3, $0x1  }
0x71: {  	v3 =	vand.u32 $0x7, v3;
	v4 =	vand.u32 $0xFFFFFFF0, v52  }
0x72: {  	v3 =	vor.u32 v3, v4  }
0x73: {  	v4 =	vperm.xlane v3, v0;
	_ =	sdelay $0x1  }
0x74: {  	v3 =	vperm.xlane v3, v2;
	v4 =	vadd.s32 v1, v4;
	_ =	sdelay $0x1  }
0x75: {  	v3 =	vadd.s32 v1, v3;
	_ =	sdelay $0x2  }
0x76: {  	[tilespmem:s7], [sflag:$0x1] =	stream.indirect_vreg.gather [hbm4b:s1+s3], $0x80, v4, vm0, $0xb8;
	[tilespmem:$0x12200] =	vst v63  }
0x77: {  	s8 =	simm.s32 $0x6A00  }
0x78: {  	[tilespmem:s8], [sflag:$0x1] =	stream.indirect_vreg.gather [hbm4b:s1+s3], $0x80, v3, vm0, $0xb8;
	[tilespmem:$0x12200] =	vst v63  }
0x79: {  	v3 =	vld [tilespmem:$0x90];
	_ =	sdelay $0x4  }
0x7a: {  	v53 =	vshll.u32 v3, $0x1  }
0x7b: {  	v3 =	vand.u32 $0x7, v3;
	v4 =	vand.u32 $0xFFFFFFF0, v53  }
0x7c: {  	v3 =	vor.u32 v3, v4  }
0x7d: {  	v4 =	vperm.xlane v3, v0;
	_ =	sdelay $0x1  }
0x7e: {  	v3 =	vperm.xlane v3, v2;
	v4 =	vadd.s32 v1, v4;
	_ =	sdelay $0x1  }
0x7f: {  	v3 =	vadd.s32 v1, v3;
	_ =	sdelay $0x2  }
0x80: {  	[tilespmem:s9], [sflag:$0x1] =	stream.indirect_vreg.gather [hbm4b:s1+s3], $0x80, v4, vm0, $0xb8;
	[tilespmem:$0x12200] =	vst v63  }
0x81: {  	_ = 	snop  }
0x82: {  	[tilespmem:s10], [sflag:$0x1] =	stream.indirect_vreg.gather [hbm4b:s1+s3], $0x80, v3, vm0, $0xb8;
	[tilespmem:$0x12200] =	vst v63  }
0x83: {  	v3 =	vld [tilespmem:$0xA0];
	_ =	sdelay $0x4  }
0x84: {  	v54 =	vshll.u32 v3, $0x1  }
0x85: {  	v3 =	vand.u32 $0x7, v3;
	v4 =	vand.u32 $0xFFFFFFF0, v54  }
0x86: {  	v3 =	vor.u32 v3, v4  }
0x87: {  	v4 =	vperm.xlane v3, v0;
	_ =	sdelay $0x1  }
0x88: {  	v3 =	vperm.xlane v3, v2;
	v4 =	vadd.s32 v1, v4;
	_ =	sdelay $0x1  }
0x89: {  	v3 =	vadd.s32 v1, v3;
	_ =	sdelay $0x2  }
0x8a: {  	[tilespmem:s11], [sflag:$0x1] =	stream.indirect_vreg.gather [hbm4b:s1+s3], $0x80, v4, vm0, $0xb8;
	[tilespmem:$0x12200] =	vst v63  }
0x8b: {  	_ = 	snop  }
0x8c: {  	[tilespmem:s12], [sflag:$0x1] =	stream.indirect_vreg.gather [hbm4b:s1+s3], $0x80, v3, vm0, $0xb8;
	[tilespmem:$0x12200] =	vst v63  }
0x8d: {  	v3 =	vld [tilespmem:$0xB0];
	_ =	sdelay $0x4  }
0x8e: {  	v55 =	vshll.u32 v3, $0x1  }
0x8f: {  	v3 =	vand.u32 $0x7, v3;
	v4 =	vand.u32 $0xFFFFFFF0, v55  }
0x90: {  	v3 =	vor.u32 v3, v4  }
0x91: {  	v4 =	vperm.xlane v3, v0;
	_ =	sdelay $0x1  }
0x92: {  	v3 =	vperm.xlane v3, v2;
	v4 =	vadd.s32 v1, v4;
	_ =	sdelay $0x1  }
0x93: {  	v3 =	vadd.s32 v1, v3;
	_ =	sdelay $0x2  }
0x94: {  	[tilespmem:s13], [sflag:$0x1] =	stream.indirect_vreg.gather [hbm4b:s1+s3], $0x80, v4, vm0, $0xb8;
	[tilespmem:$0x12200] =	vst v63  }
0x95: {  	_ = 	snop  }
0x96: {  	[tilespmem:s14], [sflag:$0x1] =	stream.indirect_vreg.gather [hbm4b:s1+s3], $0x80, v3, vm0, $0xb8;
	[tilespmem:$0x12200] =	vst v63  }
0x97: {  	v3 =	vld [tilespmem:$0xC0];
	_ =	sdelay $0x4  }
0x98: {  	v56 =	vshll.u32 v3, $0x1  }
0x99: {  	v3 =	vand.u32 $0x7, v3;
	v4 =	vand.u32 $0xFFFFFFF0, v56  }
0x9a: {  	v3 =	vor.u32 v3, v4  }
0x9b: {  	v4 =	vperm.xlane v3, v0;
	_ =	sdelay $0x1  }
0x9c: {  	v3 =	vperm.xlane v3, v2;
	v4 =	vadd.s32 v1, v4;
	_ =	sdelay $0x1  }
0x9d: {  	v3 =	vadd.s32 v1, v3;
	_ =	sdelay $0x2  }
0x9e: {  	[tilespmem:s15], [sflag:$0x1] =	stream.indirect_vreg.gather [hbm4b:s1+s3], $0x80, v4, vm0, $0xb8;
	[tilespmem:$0x12200] =	vst v63  }
0x9f: {  	_ = 	snop  }
0xa0: {  	[tilespmem:s16], [sflag:$0x1] =	stream.indirect_vreg.gather [hbm4b:s1+s3], $0x80, v3, vm0, $0xb8;
	[tilespmem:$0x12200] =	vst v63  }
0xa1: {  	v3 =	vld [tilespmem:$0xD0];
	_ =	sdelay $0x4  }
0xa2: {  	v57 =	vshll.u32 v3, $0x1  }
0xa3: {  	v3 =	vand.u32 $0x7, v3;
	v4 =	vand.u32 $0xFFFFFFF0, v57  }
0xa4: {  	v3 =	vor.u32 v3, v4  }
0xa5: {  	v4 =	vperm.xlane v3, v0;
	_ =	sdelay $0x1  }
0xa6: {  	v3 =	vperm.xlane v3, v2;
	v4 =	vadd.s32 v1, v4;
	_ =	sdelay $0x1  }
0xa7: {  	v3 =	vadd.s32 v1, v3;
	_ =	sdelay $0x2  }
0xa8: {  	[tilespmem:s17], [sflag:$0x1] =	stream.indirect_vreg.gather [hbm4b:s1+s3], $0x80, v4, vm0, $0xb8;
	[tilespmem:$0x12200] =	vst v63  }
0xa9: {  	_ = 	snop  }
0xaa: {  	[tilespmem:s18], [sflag:$0x1] =	stream.indirect_vreg.gather [hbm4b:s1+s3], $0x80, v3, vm0, $0xb8;
	[tilespmem:$0x12200] =	vst v63  }
0xab: {  	v3 =	vld [tilespmem:$0x100];
	_ =	sdelay $0x4  }
0xac: {  	v58 =	vshll.u32 v3, $0x1  }
0xad: {  	v3 =	vand.u32 $0x7, v3;
	v4 =	vand.u32 $0xFFFFFFF0, v58  }
0xae: {  	v3 =	vor.u32 v3, v4  }
0xaf: {  	v4 =	vperm.xlane v3, v0;
	_ =	sdelay $0x1  }
0xb0: {  	v3 =	vperm.xlane v3, v2;
	v4 =	vadd.s32 v1, v4;
	_ =	sdelay $0x1  }
0xb1: {  	v3 =	vadd.s32 v1, v3;
	_ =	sdelay $0x2  }
0xb2: {  	[tilespmem:s19], [sflag:$0x1] =	stream.indirect_vreg.gather [hbm4b:s1+s3], $0x80, v4, vm0, $0xb8;
	[tilespmem:$0x12200] =	vst v63  }
0xb3: {  	_ = 	snop  }
0xb4: {  	[tilespmem:s20], [sflag:$0x1] =	stream.indirect_vreg.gather [hbm4b:s1+s3], $0x80, v3, vm0, $0xb8;
	[tilespmem:$0x12200] =	vst v63  }
0xb5: {  	v3 =	vld [tilespmem:$0x110];
	_ =	sdelay $0x4  }
0xb6: {  	v59 =	vshll.u32 v3, $0x1  }
0xb7: {  	v3 =	vand.u32 $0x7, v3;
	v4 =	vand.u32 $0xFFFFFFF0, v59  }
0xb8: {  	v3 =	vor.u32 v3, v4  }
0xb9: {  	v4 =	vperm.xlane v3, v0;
	_ =	sdelay $0x1  }
0xba: {  	v3 =	vperm.xlane v3, v2;
	v4 =	vadd.s32 v1, v4;
	_ =	sdelay $0x1  }
0xbb: {  	v3 =	vadd.s32 v1, v3;
	_ =	sdelay $0x2  }
0xbc: {  	[tilespmem:s21], [sflag:$0x1] =	stream.indirect_vreg.gather [hbm4b:s1+s3], $0x80, v4, vm0, $0xb8;
	[tilespmem:$0x12200] =	vst v63  }
0xbd: {  	_ = 	snop  }
0xbe: {  	[tilespmem:s22], [sflag:$0x1] =	stream.indirect_vreg.gather [hbm4b:s1+s3], $0x80, v3, vm0, $0xb8;
	[tilespmem:$0x12200] =	vst v63  }
0xbf: {  	v3 =	vld [tilespmem:$0x120];
	_ =	sdelay $0x4  }
0xc0: {  	v60 =	vshll.u32 v3, $0x1  }
0xc1: {  	v3 =	vand.u32 $0x7, v3;
	v4 =	vand.u32 $0xFFFFFFF0, v60  }
0xc2: {  	v3 =	vor.u32 v3, v4  }
0xc3: {  	v4 =	vperm.xlane v3, v0;
	_ =	sdelay $0x1  }
0xc4: {  	v3 =	vperm.xlane v3, v2;
	v4 =	vadd.s32 v1, v4;
	_ =	sdelay $0x1  }
0xc5: {  	v3 =	vadd.s32 v1, v3;
	_ =	sdelay $0x2  }
0xc6: {  	[tilespmem:s23], [sflag:$0x1] =	stream.indirect_vreg.gather [hbm4b:s1+s3], $0x80, v4, vm0, $0xb8;
	[tilespmem:$0x12200] =	vst v63  }
0xc7: {  	_ = 	snop  }
0xc8: {  	[tilespmem:s24], [sflag:$0x1] =	stream.indirect_vreg.gather [hbm4b:s1+s3], $0x80, v3, vm0, $0xb8;
	[tilespmem:$0x12200] =	vst v63  }
0xc9: {  	v3 =	vld [tilespmem:$0x130];
	_ =	sdelay $0x4  }
0xca: {  	v61 =	vshll.u32 v3, $0x1  }
0xcb: {  	v3 =	vand.u32 $0x7, v3;
	v4 =	vand.u32 $0xFFFFFFF0, v61  }
0xcc: {  	v3 =	vor.u32 v3, v4  }
0xcd: {  	v4 =	vperm.xlane v3, v0;
	_ =	sdelay $0x1  }
0xce: {  	v3 =	vperm.xlane v3, v2;
	v4 =	vadd.s32 v1, v4;
	_ =	sdelay $0x1  }
0xcf: {  	v3 =	vadd.s32 v1, v3;
	_ =	sdelay $0x2  }
0xd0: {  	[tilespmem:s25], [sflag:$0x1] =	stream.indirect_vreg.gather [hbm4b:s1+s3], $0x80, v4, vm0, $0xb8;
	[tilespmem:$0x12200] =	vst v63  }
0xd1: {  	_ = 	snop  }
0xd2: {  	[tilespmem:s26], [sflag:$0x1] =	stream.indirect_vreg.gather [hbm4b:s1+s3], $0x80, v3, vm0, $0xb8;
	[tilespmem:$0x12200] =	vst v63  }
0xd3: {  	v3 =	vld [tilespmem:$0x140];
	_ =	sdelay $0x4  }
0xd4: {  	v62 =	vshll.u32 v3, $0x1  }
0xd5: {  	v3 =	vand.u32 $0x7, v3;
	v4 =	vand.u32 $0xFFFFFFF0, v62  }
0xd6: {  	v3 =	vor.u32 v3, v4  }
0xd7: {  	v4 =	vperm.xlane v3, v0;
	_ =	sdelay $0x1  }
0xd8: {  	v3 =	vperm.xlane v3, v2;
	v4 =	vadd.s32 v1, v4;
	_ =	sdelay $0x1  }
0xd9: {  	v3 =	vadd.s32 v1, v3;
	_ =	sdelay $0x2  }
0xda: {  	[tilespmem:s28], [sflag:$0x1] =	stream.indirect_vreg.gather [hbm4b:s1+s3], $0x80, v4, vm0, $0xb8;
	[tilespmem:$0x12200] =	vst v63  }
0xdb: {  	_ = 	snop  }
0xdc: {  	[tilespmem:s29], [sflag:$0x1] =	stream.indirect_vreg.gather [hbm4b:s1+s3], $0x80, v3, vm0, $0xb8;
	[tilespmem:$0x12200] =	vst v63  }
0xdd: {  	v3 =	vld [tilespmem:$0x150];
	_ =	sdelay $0x4  }
0xde: {  	v63 =	vshll.u32 v3, $0x1  }
0xdf: {  	v3 =	vand.u32 $0x7, v3;
	v4 =	vand.u32 $0xFFFFFFF0, v63  }
0xe0: {  	v3 =	vor.u32 v3, v4  }
0xe1: {  	v4 =	vperm.xlane v3, v0;
	_ =	sdelay $0x1  }
0xe2: {  	v3 =	vperm.xlane v3, v2;
	v4 =	vadd.s32 v1, v4;
	_ =	sdelay $0x1  }
0xe3: {  	v3 =	vadd.s32 v1, v3;
	_ =	sdelay $0x2  }
0xe4: {  	[tilespmem:s30], [sflag:$0x1] =	stream.indirect_vreg.gather [hbm4b:s1+s3], $0x80, v4, vm0, $0xb8;
	[tilespmem:$0x12200] =	vst v63  }
0xe5: {  	_ = 	snop  }
0xe6: {  	[tilespmem:s31], [sflag:$0x1] =	stream.indirect_vreg.gather [hbm4b:s1+s3], $0x80, v3, vm0, $0xb8;
	[tilespmem:$0x12200] =	vst v63  }
0xe7: {  	_ =	swait.ge [sflag:s2], $0x6000  }
0xe8: {  	[sflag:s2] =	ssyncset.done $0x0  }
0xe9: {  	[sflag:s2] =	ssyncadd.s32 $0xFFFFA000  }
0xea: {  	_ =	swait.ge [sflag:s2], $0x6000  }
0xeb: {  	[sflag:s2] =	ssyncset.done $0x0  }
0xec: {  	[sflag:s2] =	ssyncadd.s32 $0xFFFFA000  }
0xed: {  	_ =	swait.ge [sflag:s2], $0x6000  }
0xee: {  	[sflag:s2] =	ssyncset.done $0x0  }
0xef: {  	s8 =	rddreg [dreg:$0x7];
	[sflag:s2] =	ssyncadd.s32 $0xFFFFA000  }
0xf0: {  	[hbm4b:s8+s3] =	stream.linear.scatter [tilespmem:s6], [sflag:$0x2], $0x6000, $0x38;
	[tilespmem:$0x12200] =	vst v63  }
0xf1: {  	_ =	swait.ge [sflag:s5], $0x6000  }
0xf2: {  	[sflag:s5] =	ssyncset.done $0x0  }
0xf3: {  	s8 =	rddreg [dreg:$0x8];
	[sflag:s5] =	ssyncadd.s32 $0xFFFFA000  }
0xf4: {  	[hbm4b:s8+s3] =	stream.linear.scatter [tilespmem:s7], [sflag:$0x2], $0x6000, $0x38;
	[tilespmem:$0x12200] =	vst v63  }
0xf5: {  	_ =	swait.ge [sflag:s5], $0x6000  }
0xf6: {  	p0 =	sne.s32 s4, $0x1;
	[sflag:s5] =	ssyncset.done $0x0  }
.Ltmp0:
0xf7: {  	s8 =	rddreg [dreg:$0x9];
	[sflag:s5] =	ssyncadd.s32 $0xFFFFA000;
	(pc) =	sbr.rel @p0 .LBB2_1-.Ltmp0, $4  }
0xf8: {  	[hbm4b:s8+s3] =	stream.linear.scatter [tilespmem:s19], [sflag:$0x2], $0x6000, $0x38;
	[tilespmem:$0x12200] =	vst v63  }
0xf9: {  	_ =	swait.ge [sflag:s5], $0x6000  }
0xfa: {  	[sflag:s5] =	ssyncset.done $0x0  }
0xfb: {  	s4 =	sadd.s32 $0xFFFFFFFF, s4;
	[sflag:s5] =	ssyncadd.s32 $0xFFFFA000  }
0xfc: {  	_ =	sfence.sel $0x180000  }
0xfd: {  	[bflag:$0x0] =	sbarrier.arrive $0xFFFF  }
0xfe: {  	_ =	strace $0x90000047  }
0xff: {  	s0 =	stileid.u32;
	[bflag:$0x2] =	sbarrier.arrive $0xFFFF  }
0x100: {  	p0 =	sne.s32 s0, $0x0;
	s0 =	rddreg [dreg:$0x3]  }
0x101: {  	s0 =	sadd.s32 @!p0 $0x100000, s0  }
0x102: {  	[sflag:s0] =	ssyncadd.tile.s32 @!p0 $0x1;
	_ =	shalt  }
.Lfunc_end2:
_tile_overlayer_lowered:
.L_overlay_start_2:
0x103: {  	(tag) =	ssettag $0x2  }
0x104: {  	s0 =	rddreg [dreg:$0x0];
	s2 =	stileid.u32  }
0x105: {  	s1 =	rddreg [dreg:$0x1];
	p0 =	sne.s32 s2, $0x0  }
0x106: {  	s3 =	rddreg [dreg:$0x2];
	[bflag:$0x3] =	sbarrier.arrive $0xFFFF;
	s2 =	simm.s32 @!p0 $0x1C02  }
0x107: {  	[timem:s3], [sflag:s2] =	dma.local @!p0 [hbm:s0], s1  }
0x108: {  	s0 =	simm.s32 @!p0 $0x2  }
0x109: {  	_ =	swait.ge @!p0 [sflag:s0], s1  }
0x10a: {  	s1 =	ssub.s32 @!p0 $0x0, s1;
	[sflag:s0] =	ssyncset.done @!p0 $0x0  }
0x10b: {  	[sflag:s0] =	ssyncadd.s32 @!p0 s1  }
0x10c: {  	[bflag:$0x3] =	sbarrier.arrive $0xFFFF  }
0x10d: {  	_ =	shalt  }

</sc_bundles>
